<compile_context>
chip_gen: v7x
topology: tpu7x:2x2x1
jax: 0.10.2.dev20260603
libtpu: 0.0.44.dev20260713+nightly
codegen_flags: <defaults>
</compile_context>

<pallas_src>
import functools

import jax
import jax.numpy as jnp
from jax import lax
from jax.experimental import pallas as pl
from jax.experimental.pallas import tpu as pltpu
from jax.experimental.pallas import tpu_sc as plsc

_NC = 2
_NS = 16
_NW = _NC * _NS
_L = 16

_D = 4096
_ROWS = 8192
_SC_ROWS = 2048
_TC_ROWS = _ROWS - _SC_ROWS
_C = 8
_W_ROWS = _SC_ROWS // _NW
_CHUNKS = _W_ROWS // _C
_NBUF = 3

_TC_BLOCK = 512


def _sc_mask_mul(z2, mask):
    scratch = [pltpu.VMEM((_D,), jnp.float32)]
    scratch += [pltpu.VMEM((_C, _D), jnp.float32) for _ in range(_NBUF)]
    scratch += [pltpu.SemaphoreType.DMA for _ in range(2 * _NBUF)]

    @functools.partial(
        pl.kernel,
        out_type=jax.ShapeDtypeStruct((_SC_ROWS, _D), jnp.float32),
        mesh=plsc.VectorSubcoreMesh(core_axis_name="c", subcore_axis_name="s"),
        scratch_types=scratch,
        compiler_params=pltpu.CompilerParams(use_tc_tiling_on_sc=True),
    )
    def k(z_hbm, m_hbm, o_hbm, mask_v, *rest):
        bufs = rest[:_NBUF]
        sins = rest[_NBUF:2 * _NBUF]
        souts = rest[2 * _NBUF:]
        wid = lax.axis_index("s") * _NC + lax.axis_index("c")
        w_row = wid * _W_ROWS

        pltpu.sync_copy(m_hbm, mask_v)

        def start_in(i):
            b = i % _NBUF
            pltpu.async_copy(
                z_hbm.at[pl.ds(_TC_ROWS + w_row + i * _C, _C), :],
                bufs[b], sins[b],
            )

        def wait_in(i):
            b = i % _NBUF
            pltpu.make_async_copy(
                z_hbm.at[pl.ds(_TC_ROWS + w_row + i * _C, _C), :],
                bufs[b], sins[b],
            ).wait()

        def start_out(i):
            b = i % _NBUF
            pltpu.async_copy(
                bufs[b], o_hbm.at[pl.ds(w_row + i * _C, _C), :], souts[b]
            )

        def wait_out(i):
            b = i % _NBUF
            pltpu.make_async_copy(
                bufs[b], o_hbm.at[pl.ds(w_row + i * _C, _C), :], souts[b]
            ).wait()

        def compute(b):
            buf = bufs[b]

            def col_body(kk, c2):
                mv = mask_v[pl.ds(kk * _L, _L)]
                for r in range(_C):
                    buf[r, pl.ds(kk * _L, _L)] = buf[r, pl.ds(kk * _L, _L)] * mv
                return c2

            lax.fori_loop(0, _D // _L, col_body, 0)

        start_in(0)
        start_in(1)
        for i in range(_CHUNKS):
            wait_in(i)
            compute(i % _NBUF)
            start_out(i)
            if i + 2 < _CHUNKS:
                if i + 2 >= _NBUF:
                    wait_out(i + 2 - _NBUF)
                start_in(i + 2)
        for j in range(max(0, _CHUNKS - _NBUF), _CHUNKS):
            wait_out(j)

    return k(z2, mask)


def _tc_body(z_ref, m_ref, o_ref):
    o_ref[...] = z_ref[...] * m_ref[...]


def _tc_mask_mul(z2, mask):
    return pl.pallas_call(
        _tc_body,
        grid=(_TC_ROWS // _TC_BLOCK,),
        in_specs=[
            pl.BlockSpec((_TC_BLOCK, _D), lambda i: (i, 0)),
            pl.BlockSpec((1, _D), lambda i: (0, 0)),
        ],
        out_specs=pl.BlockSpec((_TC_BLOCK, _D), lambda i: (i, 0)),
        out_shape=jax.ShapeDtypeStruct((_TC_ROWS, _D), z2.dtype),
    )(z2, mask.reshape(1, _D))


def kernel(z, mask):
    B, S, D = z.shape
    z2 = z.reshape(B * S, D)
    sc_out = _sc_mask_mul(z2, mask)
    tc_out = _tc_mask_mul(z2, mask)
    return tc_out, sc_out

# --- scband reference (transcript-rebuilt; emitter-appended) ---
"""Pipeline reference for scband-mask-layer-25091198943471 (READ-ONLY COPY).

The authoritative reference and input builder live on the scoring server;
editing this copy changes nothing except your own understanding.
"""

import jax, jax.numpy as jnp
import numpy as np

DIM = 4096
B = 4
S = 2048

def setup_inputs(seed: int = 0) -> dict:
    key = jax.random.key(seed)
    k1, _ = jax.random.split(key)
    z = jax.random.normal(k1, (B, S, DIM), dtype=jnp.float32)
    # learned parameter: mask initialized to ones (matches nn.Parameter(torch.ones(dim)))
    mask = jnp.ones((DIM,), dtype=jnp.float32)
    return {"z": z, "mask": mask}

def reference(z, mask):
    # Faithful translation of MaskLayer.forward with intervention=None:
    # return z * self.mask.view(1, 1, -1)
    return z * mask.reshape(1, 1, -1)

if __name__ == "__main__":
    import jax
    _d = setup_inputs()
    print(jax.jit(kernel)(*tuple(_d.values())))

</pallas_src>

<mosaic_0001>
#map = affine_map<(d0, d1) -> (0, 0)>
#map1 = affine_map<(d0, d1) -> (0)>
module attributes {stable_mosaic.version = 14 : i64} {
  func.func @k(%arg0: i32, %arg1: i32, %arg2: memref<8192x4096xf32, #tpu.memory_space<hbm>>, %arg3: memref<4096xf32, #tpu.memory_space<hbm>>, %arg4: memref<2048x4096xf32, #tpu.memory_space<hbm>>, %arg5: memref<4096xf32, #tpu.memory_space<vmem>>, %arg6: memref<8x4096xf32, #tpu.memory_space<vmem>>, %arg7: memref<8x4096xf32, #tpu.memory_space<vmem>>, %arg8: memref<8x4096xf32, #tpu.memory_space<vmem>>, %arg9: memref<!tpu.dma_semaphore, #tpu.memory_space<semaphore_mem>>, %arg10: memref<!tpu.dma_semaphore, #tpu.memory_space<semaphore_mem>>, %arg11: memref<!tpu.dma_semaphore, #tpu.memory_space<semaphore_mem>>, %arg12: memref<!tpu.dma_semaphore, #tpu.memory_space<semaphore_mem>>, %arg13: memref<!tpu.dma_semaphore, #tpu.memory_space<semaphore_mem>>, %arg14: memref<!tpu.dma_semaphore, #tpu.memory_space<semaphore_mem>>) attributes {dimension_semantics = [#tpu.dimension_semantics<core_parallel>, #tpu.dimension_semantics<subcore_parallel>], iteration_bounds = array<i64: 2, 16>, scalar_prefetch = 0 : i64, scratch_operands = 10 : i64, tpu.core_type = #tpu.core_type<sc_vector_subcore>, window_params = [{transform_indices = #map}, {transform_indices = #map1}, {transform_indices = #map}]} {
    %mul3A = arith.constant 2 : i32
    %mul3A_0 = arith.muli %arg1, %mul3A : i32
    %add3A = arith.addi %mul3A_0, %arg0 : i32
    %mul3A_1 = arith.constant 64 : i32
    %mul3A_2 = arith.muli %add3A, %mul3A_1 : i32
    "tpu.region"() ({
      %run_scoped3A = tpu.sem_alloc : memref<!tpu.dma_semaphore, #tpu.memory_space<semaphore_mem>>
      tpu.enqueue_dma source(%arg3 : memref<4096xf32, #tpu.memory_space<hbm>>) target(%arg5 : memref<4096xf32, #tpu.memory_space<vmem>>) target_semaphore(%run_scoped3A : memref<!tpu.dma_semaphore, #tpu.memory_space<semaphore_mem>>)
      tpu.wait_dma2 semaphore(%run_scoped3A : memref<!tpu.dma_semaphore, #tpu.memory_space<semaphore_mem>>) src(%arg3 : memref<4096xf32, #tpu.memory_space<hbm>>) dst(%arg5 : memref<4096xf32, #tpu.memory_space<vmem>>)
      tpu.yield
    }) : () -> ()
    %add3A_3 = arith.constant 6144 : i32
    %add3A_4 = arith.addi %add3A_3, %mul3A_2 : i32
    %add3A_5 = arith.constant 0 : i32
    %add3A_6 = arith.addi %add3A_4, %add3A_5 : i32
    %dma_start3A = arith.constant 0 : i32
    %dma_start3A_7 = tpu.memref_slice %arg2[%add3A_6, %dma_start3A] : memref<8192x4096xf32, #tpu.memory_space<hbm>> -> memref<8x4096xf32, #tpu.memory_space<hbm>>
    %dma_start3A_8 = arith.constant 0 : i32
    %dma_start3A_9 = tpu.memref_slice %arg2[%add3A_6, %dma_start3A_8] : memref<8192x4096xf32, #tpu.memory_space<hbm>> -> memref<8x4096xf32, #tpu.memory_space<hbm>>
    tpu.enqueue_dma source(%dma_start3A_9 : memref<8x4096xf32, #tpu.memory_space<hbm>>) target(%arg6 : memref<8x4096xf32, #tpu.memory_space<vmem>>) target_semaphore(%arg9 : memref<!tpu.dma_semaphore, #tpu.memory_space<semaphore_mem>>)
    %add3A_10 = arith.constant 6144 : i32
    %add3A_11 = arith.addi %add3A_10, %mul3A_2 : i32
    %add3A_12 = arith.constant 8 : i32
    %add3A_13 = arith.addi %add3A_11, %add3A_12 : i32
    %dma_start3A_14 = arith.constant 0 : i32
    %dma_start3A_15 = tpu.memref_slice %arg2[%add3A_13, %dma_start3A_14] : memref<8192x4096xf32, #tpu.memory_space<hbm>> -> memref<8x4096xf32, #tpu.memory_space<hbm>>
    %dma_start3A_16 = arith.constant 0 : i32
    %dma_start3A_17 = tpu.memref_slice %arg2[%add3A_13, %dma_start3A_16] : memref<8192x4096xf32, #tpu.memory_space<hbm>> -> memref<8x4096xf32, #tpu.memory_space<hbm>>
    tpu.enqueue_dma source(%dma_start3A_17 : memref<8x4096xf32, #tpu.memory_space<hbm>>) target(%arg7 : memref<8x4096xf32, #tpu.memory_space<vmem>>) target_semaphore(%arg10 : memref<!tpu.dma_semaphore, #tpu.memory_space<semaphore_mem>>)
    %add3A_18 = arith.constant 6144 : i32
    %add3A_19 = arith.addi %add3A_18, %mul3A_2 : i32
    %add3A_20 = arith.constant 0 : i32
    %add3A_21 = arith.addi %add3A_19, %add3A_20 : i32
    %dma_wait3A = arith.constant 0 : i32
    %dma_wait3A_22 = tpu.memref_slice %arg2[%add3A_21, %dma_wait3A] : memref<8192x4096xf32, #tpu.memory_space<hbm>> -> memref<8x4096xf32, #tpu.memory_space<hbm>>
    %dma_wait3A_23 = arith.constant 0 : i32
    %dma_wait3A_24 = tpu.memref_slice %arg2[%add3A_21, %dma_wait3A_23] : memref<8192x4096xf32, #tpu.memory_space<hbm>> -> memref<8x4096xf32, #tpu.memory_space<hbm>>
    tpu.wait_dma2 semaphore(%arg9 : memref<!tpu.dma_semaphore, #tpu.memory_space<semaphore_mem>>) src(%dma_wait3A_24 : memref<8x4096xf32, #tpu.memory_space<hbm>>) dst(%arg6 : memref<8x4096xf32, #tpu.memory_space<vmem>>)
    %scan3A = arith.constant 0 : i32
    %scan3A_25 = arith.constant 0 : i32
    %scan3A_26 = arith.constant 256 : i32
    %scan3A_27 = arith.addi %scan3A_25, %scan3A_26 : i32
    %scan3A_28 = arith.constant 1 : i32
    scf.for %scan3A_272 = %scan3A_25 to %scan3A_27 step %scan3A_28  : i32 {
      %mul3A_273 = arith.constant 16 : i32
      %mul3A_274 = arith.muli %scan3A_272, %mul3A_273 : i32
      %get3A = arith.index_cast %mul3A_274 : i32 to index
      %get3A_275 = tpu.vector_load %arg5[%get3A] {strides = array<i32>} : memref<4096xf32, #tpu.memory_space<vmem>>, vector<16xf32>,
      %get3A_276 = vector.shape_cast %get3A_275 : vector<16xf32> to vector<16xf32>
      %mul3A_277 = arith.constant 16 : i32
      %mul3A_278 = arith.muli %scan3A_272, %mul3A_277 : i32
      %get3A_279 = arith.constant 0 : i32
      %get3A_280 = arith.index_cast %get3A_279 : i32 to index
      %get3A_281 = arith.index_cast %mul3A_278 : i32 to index
      %get3A_282 = tpu.vector_load %arg6[%get3A_280, %get3A_281] {strides = array<i32>} : memref<8x4096xf32, #tpu.memory_space<vmem>>, vector<1x16xf32>,
      %get3A_283 = vector.shape_cast %get3A_282 : vector<1x16xf32> to vector<16xf32>
      %mul3A_284 = arith.mulf %get3A_283, %get3A_276 : vector<16xf32>
      %mul3A_285 = arith.constant 16 : i32
      %mul3A_286 = arith.muli %scan3A_272, %mul3A_285 : i32
      %swap3A = arith.constant 0 : i32
      %swap3A_287 = arith.index_cast %swap3A : i32 to index
      %swap3A_288 = arith.index_cast %mul3A_286 : i32 to index
      %swap3A_289 = tpu.vector_load %arg6[%swap3A_287, %swap3A_288] {strides = array<i32>} : memref<8x4096xf32, #tpu.memory_space<vmem>>, vector<1x16xf32>,
      %swap3A_290 = vector.shape_cast %swap3A_289 : vector<1x16xf32> to vector<16xf32>
      %swap3A_291 = vector.shape_cast %mul3A_284 : vector<16xf32> to vector<1x16xf32>
      tpu.vector_store %arg6[%swap3A_287, %swap3A_288], %swap3A_291 {strides = array<i32>} : memref<8x4096xf32, #tpu.memory_space<vmem>>, vector<1x16xf32>,
      %mul3A_292 = arith.constant 16 : i32
      %mul3A_293 = arith.muli %scan3A_272, %mul3A_292 : i32
      %get3A_294 = arith.constant 1 : i32
      %get3A_295 = arith.index_cast %get3A_294 : i32 to index
      %get3A_296 = arith.index_cast %mul3A_293 : i32 to index
      %get3A_297 = tpu.vector_load %arg6[%get3A_295, %get3A_296] {strides = array<i32>} : memref<8x4096xf32, #tpu.memory_space<vmem>>, vector<1x16xf32>,
      %get3A_298 = vector.shape_cast %get3A_297 : vector<1x16xf32> to vector<16xf32>
      %mul3A_299 = arith.mulf %get3A_298, %get3A_276 : vector<16xf32>
      %mul3A_300 = arith.constant 16 : i32
      %mul3A_301 = arith.muli %scan3A_272, %mul3A_300 : i32
      %swap3A_302 = arith.constant 1 : i32
      %swap3A_303 = arith.index_cast %swap3A_302 : i32 to index
      %swap3A_304 = arith.index_cast %mul3A_301 : i32 to index
      %swap3A_305 = tpu.vector_load %arg6[%swap3A_303, %swap3A_304] {strides = array<i32>} : memref<8x4096xf32, #tpu.memory_space<vmem>>, vector<1x16xf32>,
      %swap3A_306 = vector.shape_cast %swap3A_305 : vector<1x16xf32> to vector<16xf32>
      %swap3A_307 = vector.shape_cast %mul3A_299 : vector<16xf32> to vector<1x16xf32>
      tpu.vector_store %arg6[%swap3A_303, %swap3A_304], %swap3A_307 {strides = array<i32>} : memref<8x4096xf32, #tpu.memory_space<vmem>>, vector<1x16xf32>,
      %mul3A_308 = arith.constant 16 : i32
      %mul3A_309 = arith.muli %scan3A_272, %mul3A_308 : i32
      %get3A_310 = arith.constant 2 : i32
      %get3A_311 = arith.index_cast %get3A_310 : i32 to index
      %get3A_312 = arith.index_cast %mul3A_309 : i32 to index
      %get3A_313 = tpu.vector_load %arg6[%get3A_311, %get3A_312] {strides = array<i32>} : memref<8x4096xf32, #tpu.memory_space<vmem>>, vector<1x16xf32>,
      %get3A_314 = vector.shape_cast %get3A_313 : vector<1x16xf32> to vector<16xf32>
      %mul3A_315 = arith.mulf %get3A_314, %get3A_276 : vector<16xf32>
      %mul3A_316 = arith.constant 16 : i32
      %mul3A_317 = arith.muli %scan3A_272, %mul3A_316 : i32
      %swap3A_318 = arith.constant 2 : i32
      %swap3A_319 = arith.index_cast %swap3A_318 : i32 to index
      %swap3A_320 = arith.index_cast %mul3A_317 : i32 to index
      %swap3A_321 = tpu.vector_load %arg6[%swap3A_319, %swap3A_320] {strides = array<i32>} : memref<8x4096xf32, #tpu.memory_space<vmem>>, vector<1x16xf32>,
      %swap3A_322 = vector.shape_cast %swap3A_321 : vector<1x16xf32> to vector<16xf32>
      %swap3A_323 = vector.shape_cast %mul3A_315 : vector<16xf32> to vector<1x16xf32>
      tpu.vector_store %arg6[%swap3A_319, %swap3A_320], %swap3A_323 {strides = array<i32>} : memref<8x4096xf32, #tpu.memory_space<vmem>>, vector<1x16xf32>,
      %mul3A_324 = arith.constant 16 : i32
      %mul3A_325 = arith.muli %scan3A_272, %mul3A_324 : i32
      %get3A_326 = arith.constant 3 : i32
      %get3A_327 = arith.index_cast %get3A_326 : i32 to index
      %get3A_328 = arith.index_cast %mul3A_325 : i32 to index
      %get3A_329 = tpu.vector_load %arg6[%get3A_327, %get3A_328] {strides = array<i32>} : memref<8x4096xf32, #tpu.memory_space<vmem>>, vector<1x16xf32>,
      %get3A_330 = vector.shape_cast %get3A_329 : vector<1x16xf32> to vector<16xf32>
      %mul3A_331 = arith.mulf %get3A_330, %get3A_276 : vector<16xf32>
      %mul3A_332 = arith.constant 16 : i32
      %mul3A_333 = arith.muli %scan3A_272, %mul3A_332 : i32
      %swap3A_334 = arith.constant 3 : i32
      %swap3A_335 = arith.index_cast %swap3A_334 : i32 to index
      %swap3A_336 = arith.index_cast %mul3A_333 : i32 to index
      %swap3A_337 = tpu.vector_load %arg6[%swap3A_335, %swap3A_336] {strides = array<i32>} : memref<8x4096xf32, #tpu.memory_space<vmem>>, vector<1x16xf32>,
      %swap3A_338 = vector.shape_cast %swap3A_337 : vector<1x16xf32> to vector<16xf32>
      %swap3A_339 = vector.shape_cast %mul3A_331 : vector<16xf32> to vector<1x16xf32>
      tpu.vector_store %arg6[%swap3A_335, %swap3A_336], %swap3A_339 {strides = array<i32>} : memref<8x4096xf32, #tpu.memory_space<vmem>>, vector<1x16xf32>,
      %mul3A_340 = arith.constant 16 : i32
      %mul3A_341 = arith.muli %scan3A_272, %mul3A_340 : i32
      %get3A_342 = arith.constant 4 : i32
      %get3A_343 = arith.index_cast %get3A_342 : i32 to index
      %get3A_344 = arith.index_cast %mul3A_341 : i32 to index
      %get3A_345 = tpu.vector_load %arg6[%get3A_343, %get3A_344] {strides = array<i32>} : memref<8x4096xf32, #tpu.memory_space<vmem>>, vector<1x16xf32>,
      %get3A_346 = vector.shape_cast %get3A_345 : vector<1x16xf32> to vector<16xf32>
      %mul3A_347 = arith.mulf %get3A_346, %get3A_276 : vector<16xf32>
      %mul3A_348 = arith.constant 16 : i32
      %mul3A_349 = arith.muli %scan3A_272, %mul3A_348 : i32
      %swap3A_350 = arith.constant 4 : i32
      %swap3A_351 = arith.index_cast %swap3A_350 : i32 to index
      %swap3A_352 = arith.index_cast %mul3A_349 : i32 to index
      %swap3A_353 = tpu.vector_load %arg6[%swap3A_351, %swap3A_352] {strides = array<i32>} : memref<8x4096xf32, #tpu.memory_space<vmem>>, vector<1x16xf32>,
      %swap3A_354 = vector.shape_cast %swap3A_353 : vector<1x16xf32> to vector<16xf32>
      %swap3A_355 = vector.shape_cast %mul3A_347 : vector<16xf32> to vector<1x16xf32>
      tpu.vector_store %arg6[%swap3A_351, %swap3A_352], %swap3A_355 {strides = array<i32>} : memref<8x4096xf32, #tpu.memory_space<vmem>>, vector<1x16xf32>,
      %mul3A_356 = arith.constant 16 : i32
      %mul3A_357 = arith.muli %scan3A_272, %mul3A_356 : i32
      %get3A_358 = arith.constant 5 : i32
      %get3A_359 = arith.index_cast %get3A_358 : i32 to index
      %get3A_360 = arith.index_cast %mul3A_357 : i32 to index
      %get3A_361 = tpu.vector_load %arg6[%get3A_359, %get3A_360] {strides = array<i32>} : memref<8x4096xf32, #tpu.memory_space<vmem>>, vector<1x16xf32>,
      %get3A_362 = vector.shape_cast %get3A_361 : vector<1x16xf32> to vector<16xf32>
      %mul3A_363 = arith.mulf %get3A_362, %get3A_276 : vector<16xf32>
      %mul3A_364 = arith.constant 16 : i32
      %mul3A_365 = arith.muli %scan3A_272, %mul3A_364 : i32
      %swap3A_366 = arith.constant 5 : i32
      %swap3A_367 = arith.index_cast %swap3A_366 : i32 to index
      %swap3A_368 = arith.index_cast %mul3A_365 : i32 to index
      %swap3A_369 = tpu.vector_load %arg6[%swap3A_367, %swap3A_368] {strides = array<i32>} : memref<8x4096xf32, #tpu.memory_space<vmem>>, vector<1x16xf32>,
      %swap3A_370 = vector.shape_cast %swap3A_369 : vector<1x16xf32> to vector<16xf32>
      %swap3A_371 = vector.shape_cast %mul3A_363 : vector<16xf32> to vector<1x16xf32>
      tpu.vector_store %arg6[%swap3A_367, %swap3A_368], %swap3A_371 {strides = array<i32>} : memref<8x4096xf32, #tpu.memory_space<vmem>>, vector<1x16xf32>,
      %mul3A_372 = arith.constant 16 : i32
      %mul3A_373 = arith.muli %scan3A_272, %mul3A_372 : i32
      %get3A_374 = arith.constant 6 : i32
      %get3A_375 = arith.index_cast %get3A_374 : i32 to index
      %get3A_376 = arith.index_cast %mul3A_373 : i32 to index
      %get3A_377 = tpu.vector_load %arg6[%get3A_375, %get3A_376] {strides = array<i32>} : memref<8x4096xf32, #tpu.memory_space<vmem>>, vector<1x16xf32>,
      %get3A_378 = vector.shape_cast %get3A_377 : vector<1x16xf32> to vector<16xf32>
      %mul3A_379 = arith.mulf %get3A_378, %get3A_276 : vector<16xf32>
      %mul3A_380 = arith.constant 16 : i32
      %mul3A_381 = arith.muli %scan3A_272, %mul3A_380 : i32
      %swap3A_382 = arith.constant 6 : i32
      %swap3A_383 = arith.index_cast %swap3A_382 : i32 to index
      %swap3A_384 = arith.index_cast %mul3A_381 : i32 to index
      %swap3A_385 = tpu.vector_load %arg6[%swap3A_383, %swap3A_384] {strides = array<i32>} : memref<8x4096xf32, #tpu.memory_space<vmem>>, vector<1x16xf32>,
      %swap3A_386 = vector.shape_cast %swap3A_385 : vector<1x16xf32> to vector<16xf32>
      %swap3A_387 = vector.shape_cast %mul3A_379 : vector<16xf32> to vector<1x16xf32>
      tpu.vector_store %arg6[%swap3A_383, %swap3A_384], %swap3A_387 {strides = array<i32>} : memref<8x4096xf32, #tpu.memory_space<vmem>>, vector<1x16xf32>,
      %mul3A_388 = arith.constant 16 : i32
      %mul3A_389 = arith.muli %scan3A_272, %mul3A_388 : i32
      %get3A_390 = arith.constant 7 : i32
      %get3A_391 = arith.index_cast %get3A_390 : i32 to index
      %get3A_392 = arith.index_cast %mul3A_389 : i32 to index
      %get3A_393 = tpu.vector_load %arg6[%get3A_391, %get3A_392] {strides = array<i32>} : memref<8x4096xf32, #tpu.memory_space<vmem>>, vector<1x16xf32>,
      %get3A_394 = vector.shape_cast %get3A_393 : vector<1x16xf32> to vector<16xf32>
      %mul3A_395 = arith.mulf %get3A_394, %get3A_276 : vector<16xf32>
      %mul3A_396 = arith.constant 16 : i32
      %mul3A_397 = arith.muli %scan3A_272, %mul3A_396 : i32
      %swap3A_398 = arith.constant 7 : i32
      %swap3A_399 = arith.index_cast %swap3A_398 : i32 to index
      %swap3A_400 = arith.index_cast %mul3A_397 : i32 to index
      %swap3A_401 = tpu.vector_load %arg6[%swap3A_399, %swap3A_400] {strides = array<i32>} : memref<8x4096xf32, #tpu.memory_space<vmem>>, vector<1x16xf32>,
      %swap3A_402 = vector.shape_cast %swap3A_401 : vector<1x16xf32> to vector<16xf32>
      %swap3A_403 = vector.shape_cast %mul3A_395 : vector<16xf32> to vector<1x16xf32>
      tpu.vector_store %arg6[%swap3A_399, %swap3A_400], %swap3A_403 {strides = array<i32>} : memref<8x4096xf32, #tpu.memory_space<vmem>>, vector<1x16xf32>,
    }
    %scan3A_29 = arith.constant 256 : i32
    %add3A_30 = arith.constant 0 : i32
    %add3A_31 = arith.addi %mul3A_2, %add3A_30 : i32
    %dma_start3A_32 = arith.constant 0 : i32
    %dma_start3A_33 = tpu.memref_slice %arg4[%add3A_31, %dma_start3A_32] : memref<2048x4096xf32, #tpu.memory_space<hbm>> -> memref<8x4096xf32, #tpu.memory_space<hbm>>
    %dma_start3A_34 = arith.constant 0 : i32
    %dma_start3A_35 = tpu.memref_slice %arg4[%add3A_31, %dma_start3A_34] : memref<2048x4096xf32, #tpu.memory_space<hbm>> -> memref<8x4096xf32, #tpu.memory_space<hbm>>
    tpu.enqueue_dma source(%arg6 : memref<8x4096xf32, #tpu.memory_space<vmem>>) target(%dma_start3A_35 : memref<8x4096xf32, #tpu.memory_space<hbm>>) target_semaphore(%arg12 : memref<!tpu.dma_semaphore, #tpu.memory_space<semaphore_mem>>)
    %add3A_36 = arith.constant 6144 : i32
    %add3A_37 = arith.addi %add3A_36, %mul3A_2 : i32
    %add3A_38 = arith.constant 16 : i32
    %add3A_39 = arith.addi %add3A_37, %add3A_38 : i32
    %dma_start3A_40 = arith.constant 0 : i32
    %dma_start3A_41 = tpu.memref_slice %arg2[%add3A_39, %dma_start3A_40] : memref<8192x4096xf32, #tpu.memory_space<hbm>> -> memref<8x4096xf32, #tpu.memory_space<hbm>>
    %dma_start3A_42 = arith.constant 0 : i32
    %dma_start3A_43 = tpu.memref_slice %arg2[%add3A_39, %dma_start3A_42] : memref<8192x4096xf32, #tpu.memory_space<hbm>> -> memref<8x4096xf32, #tpu.memory_space<hbm>>
    tpu.enqueue_dma source(%dma_start3A_43 : memref<8x4096xf32, #tpu.memory_space<hbm>>) target(%arg8 : memref<8x4096xf32, #tpu.memory_space<vmem>>) target_semaphore(%arg11 : memref<!tpu.dma_semaphore, #tpu.memory_space<semaphore_mem>>)
    %add3A_44 = arith.constant 6144 : i32
    %add3A_45 = arith.addi %add3A_44, %mul3A_2 : i32
    %add3A_46 = arith.constant 8 : i32
    %add3A_47 = arith.addi %add3A_45, %add3A_46 : i32
    %dma_wait3A_48 = arith.constant 0 : i32
    %dma_wait3A_49 = tpu.memref_slice %arg2[%add3A_47, %dma_wait3A_48] : memref<8192x4096xf32, #tpu.memory_space<hbm>> -> memref<8x4096xf32, #tpu.memory_space<hbm>>
    %dma_wait3A_50 = arith.constant 0 : i32
    %dma_wait3A_51 = tpu.memref_slice %arg2[%add3A_47, %dma_wait3A_50] : memref<8192x4096xf32, #tpu.memory_space<hbm>> -> memref<8x4096xf32, #tpu.memory_space<hbm>>
    tpu.wait_dma2 semaphore(%arg10 : memref<!tpu.dma_semaphore, #tpu.memory_space<semaphore_mem>>) src(%dma_wait3A_51 : memref<8x4096xf32, #tpu.memory_space<hbm>>) dst(%arg7 : memref<8x4096xf32, #tpu.memory_space<vmem>>)
    %scan3A_52 = arith.constant 0 : i32
    %scan3A_53 = arith.constant 0 : i32
    %scan3A_54 = arith.constant 256 : i32
    %scan3A_55 = arith.addi %scan3A_53, %scan3A_54 : i32
    %scan3A_56 = arith.constant 1 : i32
    scf.for %scan3A_272 = %scan3A_53 to %scan3A_55 step %scan3A_56  : i32 {
      %mul3A_273 = arith.constant 16 : i32
      %mul3A_274 = arith.muli %scan3A_272, %mul3A_273 : i32
      %get3A = arith.index_cast %mul3A_274 : i32 to index
      %get3A_275 = tpu.vector_load %arg5[%get3A] {strides = array<i32>} : memref<4096xf32, #tpu.memory_space<vmem>>, vector<16xf32>,
      %get3A_276 = vector.shape_cast %get3A_275 : vector<16xf32> to vector<16xf32>
      %mul3A_277 = arith.constant 16 : i32
      %mul3A_278 = arith.muli %scan3A_272, %mul3A_277 : i32
      %get3A_279 = arith.constant 0 : i32
      %get3A_280 = arith.index_cast %get3A_279 : i32 to index
      %get3A_281 = arith.index_cast %mul3A_278 : i32 to index
      %get3A_282 = tpu.vector_load %arg7[%get3A_280, %get3A_281] {strides = array<i32>} : memref<8x4096xf32, #tpu.memory_space<vmem>>, vector<1x16xf32>,
      %get3A_283 = vector.shape_cast %get3A_282 : vector<1x16xf32> to vector<16xf32>
      %mul3A_284 = arith.mulf %get3A_283, %get3A_276 : vector<16xf32>
      %mul3A_285 = arith.constant 16 : i32
      %mul3A_286 = arith.muli %scan3A_272, %mul3A_285 : i32
      %swap3A = arith.constant 0 : i32
      %swap3A_287 = arith.index_cast %swap3A : i32 to index
      %swap3A_288 = arith.index_cast %mul3A_286 : i32 to index
      %swap3A_289 = tpu.vector_load %arg7[%swap3A_287, %swap3A_288] {strides = array<i32>} : memref<8x4096xf32, #tpu.memory_space<vmem>>, vector<1x16xf32>,
      %swap3A_290 = vector.shape_cast %swap3A_289 : vector<1x16xf32> to vector<16xf32>
      %swap3A_291 = vector.shape_cast %mul3A_284 : vector<16xf32> to vector<1x16xf32>
      tpu.vector_store %arg7[%swap3A_287, %swap3A_288], %swap3A_291 {strides = array<i32>} : memref<8x4096xf32, #tpu.memory_space<vmem>>, vector<1x16xf32>,
      %mul3A_292 = arith.constant 16 : i32
      %mul3A_293 = arith.muli %scan3A_272, %mul3A_292 : i32
      %get3A_294 = arith.constant 1 : i32
      %get3A_295 = arith.index_cast %get3A_294 : i32 to index
      %get3A_296 = arith.index_cast %mul3A_293 : i32 to index
      %get3A_297 = tpu.vector_load %arg7[%get3A_295, %get3A_296] {strides = array<i32>} : memref<8x4096xf32, #tpu.memory_space<vmem>>, vector<1x16xf32>,
      %get3A_298 = vector.shape_cast %get3A_297 : vector<1x16xf32> to vector<16xf32>
      %mul3A_299 = arith.mulf %get3A_298, %get3A_276 : vector<16xf32>
      %mul3A_300 = arith.constant 16 : i32
      %mul3A_301 = arith.muli %scan3A_272, %mul3A_300 : i32
      %swap3A_302 = arith.constant 1 : i32
      %swap3A_303 = arith.index_cast %swap3A_302 : i32 to index
      %swap3A_304 = arith.index_cast %mul3A_301 : i32 to index
      %swap3A_305 = tpu.vector_load %arg7[%swap3A_303, %swap3A_304] {strides = array<i32>} : memref<8x4096xf32, #tpu.memory_space<vmem>>, vector<1x16xf32>,
      %swap3A_306 = vector.shape_cast %swap3A_305 : vector<1x16xf32> to vector<16xf32>
      %swap3A_307 = vector.shape_cast %mul3A_299 : vector<16xf32> to vector<1x16xf32>
      tpu.vector_store %arg7[%swap3A_303, %swap3A_304], %swap3A_307 {strides = array<i32>} : memref<8x4096xf32, #tpu.memory_space<vmem>>, vector<1x16xf32>,
      %mul3A_308 = arith.constant 16 : i32
      %mul3A_309 = arith.muli %scan3A_272, %mul3A_308 : i32
      %get3A_310 = arith.constant 2 : i32
      %get3A_311 = arith.index_cast %get3A_310 : i32 to index
      %get3A_312 = arith.index_cast %mul3A_309 : i32 to index
      %get3A_313 = tpu.vector_load %arg7[%get3A_311, %get3A_312] {strides = array<i32>} : memref<8x4096xf32, #tpu.memory_space<vmem>>, vector<1x16xf32>,
      %get3A_314 = vector.shape_cast %get3A_313 : vector<1x16xf32> to vector<16xf32>
      %mul3A_315 = arith.mulf %get3A_314, %get3A_276 : vector<16xf32>
      %mul3A_316 = arith.constant 16 : i32
      %mul3A_317 = arith.muli %scan3A_272, %mul3A_316 : i32
      %swap3A_318 = arith.constant 2 : i32
      %swap3A_319 = arith.index_cast %swap3A_318 : i32 to index
      %swap3A_320 = arith.index_cast %mul3A_317 : i32 to index
      %swap3A_321 = tpu.vector_load %arg7[%swap3A_319, %swap3A_320] {strides = array<i32>} : memref<8x4096xf32, #tpu.memory_space<vmem>>, vector<1x16xf32>,
      %swap3A_322 = vector.shape_cast %swap3A_321 : vector<1x16xf32> to vector<16xf32>
      %swap3A_323 = vector.shape_cast %mul3A_315 : vector<16xf32> to vector<1x16xf32>
      tpu.vector_store %arg7[%swap3A_319, %swap3A_320], %swap3A_323 {strides = array<i32>} : memref<8x4096xf32, #tpu.memory_space<vmem>>, vector<1x16xf32>,
      %mul3A_324 = arith.constant 16 : i32
      %mul3A_325 = arith.muli %scan3A_272, %mul3A_324 : i32
      %get3A_326 = arith.constant 3 : i32
      %get3A_327 = arith.index_cast %get3A_326 : i32 to index
      %get3A_328 = arith.index_cast %mul3A_325 : i32 to index
      %get3A_329 = tpu.vector_load %arg7[%get3A_327, %get3A_328] {strides = array<i32>} : memref<8x4096xf32, #tpu.memory_space<vmem>>, vector<1x16xf32>,
      %get3A_330 = vector.shape_cast %get3A_329 : vector<1x16xf32> to vector<16xf32>
      %mul3A_331 = arith.mulf %get3A_330, %get3A_276 : vector<16xf32>
      %mul3A_332 = arith.constant 16 : i32
      %mul3A_333 = arith.muli %scan3A_272, %mul3A_332 : i32
      %swap3A_334 = arith.constant 3 : i32
      %swap3A_335 = arith.index_cast %swap3A_334 : i32 to index
      %swap3A_336 = arith.index_cast %mul3A_333 : i32 to index
      %swap3A_337 = tpu.vector_load %arg7[%swap3A_335, %swap3A_336] {strides = array<i32>} : memref<8x4096xf32, #tpu.memory_space<vmem>>, vector<1x16xf32>,
      %swap3A_338 = vector.shape_cast %swap3A_337 : vector<1x16xf32> to vector<16xf32>
      %swap3A_339 = vector.shape_cast %mul3A_331 : vector<16xf32> to vector<1x16xf32>
      tpu.vector_store %arg7[%swap3A_335, %swap3A_336], %swap3A_339 {strides = array<i32>} : memref<8x4096xf32, #tpu.memory_space<vmem>>, vector<1x16xf32>,
      %mul3A_340 = arith.constant 16 : i32
      %mul3A_341 = arith.muli %scan3A_272, %mul3A_340 : i32
      %get3A_342 = arith.constant 4 : i32
      %get3A_343 = arith.index_cast %get3A_342 : i32 to index
      %get3A_344 = arith.index_cast %mul3A_341 : i32 to index
      %get3A_345 = tpu.vector_load %arg7[%get3A_343, %get3A_344] {strides = array<i32>} : memref<8x4096xf32, #tpu.memory_space<vmem>>, vector<1x16xf32>,
      %get3A_346 = vector.shape_cast %get3A_345 : vector<1x16xf32> to vector<16xf32>
      %mul3A_347 = arith.mulf %get3A_346, %get3A_276 : vector<16xf32>
      %mul3A_348 = arith.constant 16 : i32
      %mul3A_349 = arith.muli %scan3A_272, %mul3A_348 : i32
      %swap3A_350 = arith.constant 4 : i32
      %swap3A_351 = arith.index_cast %swap3A_350 : i32 to index
      %swap3A_352 = arith.index_cast %mul3A_349 : i32 to index
      %swap3A_353 = tpu.vector_load %arg7[%swap3A_351, %swap3A_352] {strides = array<i32>} : memref<8x4096xf32, #tpu.memory_space<vmem>>, vector<1x16xf32>,
      %swap3A_354 = vector.shape_cast %swap3A_353 : vector<1x16xf32> to vector<16xf32>
      %swap3A_355 = vector.shape_cast %mul3A_347 : vector<16xf32> to vector<1x16xf32>
      tpu.vector_store %arg7[%swap3A_351, %swap3A_352], %swap3A_355 {strides = array<i32>} : memref<8x4096xf32, #tpu.memory_space<vmem>>, vector<1x16xf32>,
      %mul3A_356 = arith.constant 16 : i32
      %mul3A_357 = arith.muli %scan3A_272, %mul3A_356 : i32
      %get3A_358 = arith.constant 5 : i32
      %get3A_359 = arith.index_cast %get3A_358 : i32 to index
      %get3A_360 = arith.index_cast %mul3A_357 : i32 to index
      %get3A_361 = tpu.vector_load %arg7[%get3A_359, %get3A_360] {strides = array<i32>} : memref<8x4096xf32, #tpu.memory_space<vmem>>, vector<1x16xf32>,
      %get3A_362 = vector.shape_cast %get3A_361 : vector<1x16xf32> to vector<16xf32>
      %mul3A_363 = arith.mulf %get3A_362, %get3A_276 : vector<16xf32>
      %mul3A_364 = arith.constant 16 : i32
      %mul3A_365 = arith.muli %scan3A_272, %mul3A_364 : i32
      %swap3A_366 = arith.constant 5 : i32
      %swap3A_367 = arith.index_cast %swap3A_366 : i32 to index
      %swap3A_368 = arith.index_cast %mul3A_365 : i32 to index
      %swap3A_369 = tpu.vector_load %arg7[%swap3A_367, %swap3A_368] {strides = array<i32>} : memref<8x4096xf32, #tpu.memory_space<vmem>>, vector<1x16xf32>,
      %swap3A_370 = vector.shape_cast %swap3A_369 : vector<1x16xf32> to vector<16xf32>
      %swap3A_371 = vector.shape_cast %mul3A_363 : vector<16xf32> to vector<1x16xf32>
      tpu.vector_store %arg7[%swap3A_367, %swap3A_368], %swap3A_371 {strides = array<i32>} : memref<8x4096xf32, #tpu.memory_space<vmem>>, vector<1x16xf32>,
      %mul3A_372 = arith.constant 16 : i32
      %mul3A_373 = arith.muli %scan3A_272, %mul3A_372 : i32
      %get3A_374 = arith.constant 6 : i32
      %get3A_375 = arith.index_cast %get3A_374 : i32 to index
      %get3A_376 = arith.index_cast %mul3A_373 : i32 to index
      %get3A_377 = tpu.vector_load %arg7[%get3A_375, %get3A_376] {strides = array<i32>} : memref<8x4096xf32, #tpu.memory_space<vmem>>, vector<1x16xf32>,
      %get3A_378 = vector.shape_cast %get3A_377 : vector<1x16xf32> to vector<16xf32>
      %mul3A_379 = arith.mulf %get3A_378, %get3A_276 : vector<16xf32>
      %mul3A_380 = arith.constant 16 : i32
      %mul3A_381 = arith.muli %scan3A_272, %mul3A_380 : i32
      %swap3A_382 = arith.constant 6 : i32
      %swap3A_383 = arith.index_cast %swap3A_382 : i32 to index
      %swap3A_384 = arith.index_cast %mul3A_381 : i32 to index
      %swap3A_385 = tpu.vector_load %arg7[%swap3A_383, %swap3A_384] {strides = array<i32>} : memref<8x4096xf32, #tpu.memory_space<vmem>>, vector<1x16xf32>,
      %swap3A_386 = vector.shape_cast %swap3A_385 : vector<1x16xf32> to vector<16xf32>
      %swap3A_387 = vector.shape_cast %mul3A_379 : vector<16xf32> to vector<1x16xf32>
      tpu.vector_store %arg7[%swap3A_383, %swap3A_384], %swap3A_387 {strides = array<i32>} : memref<8x4096xf32, #tpu.memory_space<vmem>>, vector<1x16xf32>,
      %mul3A_388 = arith.constant 16 : i32
      %mul3A_389 = arith.muli %scan3A_272, %mul3A_388 : i32
      %get3A_390 = arith.constant 7 : i32
      %get3A_391 = arith.index_cast %get3A_390 : i32 to index
      %get3A_392 = arith.index_cast %mul3A_389 : i32 to index
      %get3A_393 = tpu.vector_load %arg7[%get3A_391, %get3A_392] {strides = array<i32>} : memref<8x4096xf32, #tpu.memory_space<vmem>>, vector<1x16xf32>,
      %get3A_394 = vector.shape_cast %get3A_393 : vector<1x16xf32> to vector<16xf32>
      %mul3A_395 = arith.mulf %get3A_394, %get3A_276 : vector<16xf32>
      %mul3A_396 = arith.constant 16 : i32
      %mul3A_397 = arith.muli %scan3A_272, %mul3A_396 : i32
      %swap3A_398 = arith.constant 7 : i32
      %swap3A_399 = arith.index_cast %swap3A_398 : i32 to index
      %swap3A_400 = arith.index_cast %mul3A_397 : i32 to index
      %swap3A_401 = tpu.vector_load %arg7[%swap3A_399, %swap3A_400] {strides = array<i32>} : memref<8x4096xf32, #tpu.memory_space<vmem>>, vector<1x16xf32>,
      %swap3A_402 = vector.shape_cast %swap3A_401 : vector<1x16xf32> to vector<16xf32>
      %swap3A_403 = vector.shape_cast %mul3A_395 : vector<16xf32> to vector<1x16xf32>
      tpu.vector_store %arg7[%swap3A_399, %swap3A_400], %swap3A_403 {strides = array<i32>} : memref<8x4096xf32, #tpu.memory_space<vmem>>, vector<1x16xf32>,
    }
    %scan3A_57 = arith.constant 256 : i32
    %add3A_58 = arith.constant 8 : i32
    %add3A_59 = arith.addi %mul3A_2, %add3A_58 : i32
    %dma_start3A_60 = arith.constant 0 : i32
    %dma_start3A_61 = tpu.memref_slice %arg4[%add3A_59, %dma_start3A_60] : memref<2048x4096xf32, #tpu.memory_space<hbm>> -> memref<8x4096xf32, #tpu.memory_space<hbm>>
    %dma_start3A_62 = arith.constant 0 : i32
    %dma_start3A_63 = tpu.memref_slice %arg4[%add3A_59, %dma_start3A_62] : memref<2048x4096xf32, #tpu.memory_space<hbm>> -> memref<8x4096xf32, #tpu.memory_space<hbm>>
    tpu.enqueue_dma source(%arg7 : memref<8x4096xf32, #tpu.memory_space<vmem>>) target(%dma_start3A_63 : memref<8x4096xf32, #tpu.memory_space<hbm>>) target_semaphore(%arg13 : memref<!tpu.dma_semaphore, #tpu.memory_space<semaphore_mem>>)
    %add3A_64 = arith.constant 0 : i32
    %add3A_65 = arith.addi %mul3A_2, %add3A_64 : i32
    %dma_wait3A_66 = arith.constant 0 : i32
    %dma_wait3A_67 = tpu.memref_slice %arg4[%add3A_65, %dma_wait3A_66] : memref<2048x4096xf32, #tpu.memory_space<hbm>> -> memref<8x4096xf32, #tpu.memory_space<hbm>>
    %dma_wait3A_68 = arith.constant 0 : i32
    %dma_wait3A_69 = tpu.memref_slice %arg4[%add3A_65, %dma_wait3A_68] : memref<2048x4096xf32, #tpu.memory_space<hbm>> -> memref<8x4096xf32, #tpu.memory_space<hbm>>
    tpu.wait_dma2 semaphore(%arg12 : memref<!tpu.dma_semaphore, #tpu.memory_space<semaphore_mem>>) src(%arg6 : memref<8x4096xf32, #tpu.memory_space<vmem>>) dst(%dma_wait3A_69 : memref<8x4096xf32, #tpu.memory_space<hbm>>)
    %add3A_70 = arith.constant 6144 : i32
    %add3A_71 = arith.addi %add3A_70, %mul3A_2 : i32
    %add3A_72 = arith.constant 24 : i32
    %add3A_73 = arith.addi %add3A_71, %add3A_72 : i32
    %dma_start3A_74 = arith.constant 0 : i32
    %dma_start3A_75 = tpu.memref_slice %arg2[%add3A_73, %dma_start3A_74] : memref<8192x4096xf32, #tpu.memory_space<hbm>> -> memref<8x4096xf32, #tpu.memory_space<hbm>>
    %dma_start3A_76 = arith.constant 0 : i32
    %dma_start3A_77 = tpu.memref_slice %arg2[%add3A_73, %dma_start3A_76] : memref<8192x4096xf32, #tpu.memory_space<hbm>> -> memref<8x4096xf32, #tpu.memory_space<hbm>>
    tpu.enqueue_dma source(%dma_start3A_77 : memref<8x4096xf32, #tpu.memory_space<hbm>>) target(%arg6 : memref<8x4096xf32, #tpu.memory_space<vmem>>) target_semaphore(%arg9 : memref<!tpu.dma_semaphore, #tpu.memory_space<semaphore_mem>>)
    %add3A_78 = arith.constant 6144 : i32
    %add3A_79 = arith.addi %add3A_78, %mul3A_2 : i32
    %add3A_80 = arith.constant 16 : i32
    %add3A_81 = arith.addi %add3A_79, %add3A_80 : i32
    %dma_wait3A_82 = arith.constant 0 : i32
    %dma_wait3A_83 = tpu.memref_slice %arg2[%add3A_81, %dma_wait3A_82] : memref<8192x4096xf32, #tpu.memory_space<hbm>> -> memref<8x4096xf32, #tpu.memory_space<hbm>>
    %dma_wait3A_84 = arith.constant 0 : i32
    %dma_wait3A_85 = tpu.memref_slice %arg2[%add3A_81, %dma_wait3A_84] : memref<8192x4096xf32, #tpu.memory_space<hbm>> -> memref<8x4096xf32, #tpu.memory_space<hbm>>
    tpu.wait_dma2 semaphore(%arg11 : memref<!tpu.dma_semaphore, #tpu.memory_space<semaphore_mem>>) src(%dma_wait3A_85 : memref<8x4096xf32, #tpu.memory_space<hbm>>) dst(%arg8 : memref<8x4096xf32, #tpu.memory_space<vmem>>)
    %scan3A_86 = arith.constant 0 : i32
    %scan3A_87 = arith.constant 0 : i32
    %scan3A_88 = arith.constant 256 : i32
    %scan3A_89 = arith.addi %scan3A_87, %scan3A_88 : i32
    %scan3A_90 = arith.constant 1 : i32
    scf.for %scan3A_272 = %scan3A_87 to %scan3A_89 step %scan3A_90  : i32 {
      %mul3A_273 = arith.constant 16 : i32
      %mul3A_274 = arith.muli %scan3A_272, %mul3A_273 : i32
      %get3A = arith.index_cast %mul3A_274 : i32 to index
      %get3A_275 = tpu.vector_load %arg5[%get3A] {strides = array<i32>} : memref<4096xf32, #tpu.memory_space<vmem>>, vector<16xf32>,
      %get3A_276 = vector.shape_cast %get3A_275 : vector<16xf32> to vector<16xf32>
      %mul3A_277 = arith.constant 16 : i32
      %mul3A_278 = arith.muli %scan3A_272, %mul3A_277 : i32
      %get3A_279 = arith.constant 0 : i32
      %get3A_280 = arith.index_cast %get3A_279 : i32 to index
      %get3A_281 = arith.index_cast %mul3A_278 : i32 to index
      %get3A_282 = tpu.vector_load %arg8[%get3A_280, %get3A_281] {strides = array<i32>} : memref<8x4096xf32, #tpu.memory_space<vmem>>, vector<1x16xf32>,
      %get3A_283 = vector.shape_cast %get3A_282 : vector<1x16xf32> to vector<16xf32>
      %mul3A_284 = arith.mulf %get3A_283, %get3A_276 : vector<16xf32>
      %mul3A_285 = arith.constant 16 : i32
      %mul3A_286 = arith.muli %scan3A_272, %mul3A_285 : i32
      %swap3A = arith.constant 0 : i32
      %swap3A_287 = arith.index_cast %swap3A : i32 to index
      %swap3A_288 = arith.index_cast %mul3A_286 : i32 to index
      %swap3A_289 = tpu.vector_load %arg8[%swap3A_287, %swap3A_288] {strides = array<i32>} : memref<8x4096xf32, #tpu.memory_space<vmem>>, vector<1x16xf32>,
      %swap3A_290 = vector.shape_cast %swap3A_289 : vector<1x16xf32> to vector<16xf32>
      %swap3A_291 = vector.shape_cast %mul3A_284 : vector<16xf32> to vector<1x16xf32>
      tpu.vector_store %arg8[%swap3A_287, %swap3A_288], %swap3A_291 {strides = array<i32>} : memref<8x4096xf32, #tpu.memory_space<vmem>>, vector<1x16xf32>,
      %mul3A_292 = arith.constant 16 : i32
      %mul3A_293 = arith.muli %scan3A_272, %mul3A_292 : i32
      %get3A_294 = arith.constant 1 : i32
      %get3A_295 = arith.index_cast %get3A_294 : i32 to index
      %get3A_296 = arith.index_cast %mul3A_293 : i32 to index
      %get3A_297 = tpu.vector_load %arg8[%get3A_295, %get3A_296] {strides = array<i32>} : memref<8x4096xf32, #tpu.memory_space<vmem>>, vector<1x16xf32>,
      %get3A_298 = vector.shape_cast %get3A_297 : vector<1x16xf32> to vector<16xf32>
      %mul3A_299 = arith.mulf %get3A_298, %get3A_276 : vector<16xf32>
      %mul3A_300 = arith.constant 16 : i32
      %mul3A_301 = arith.muli %scan3A_272, %mul3A_300 : i32
      %swap3A_302 = arith.constant 1 : i32
      %swap3A_303 = arith.index_cast %swap3A_302 : i32 to index
      %swap3A_304 = arith.index_cast %mul3A_301 : i32 to index
      %swap3A_305 = tpu.vector_load %arg8[%swap3A_303, %swap3A_304] {strides = array<i32>} : memref<8x4096xf32, #tpu.memory_space<vmem>>, vector<1x16xf32>,
      %swap3A_306 = vector.shape_cast %swap3A_305 : vector<1x16xf32> to vector<16xf32>
      %swap3A_307 = vector.shape_cast %mul3A_299 : vector<16xf32> to vector<1x16xf32>
      tpu.vector_store %arg8[%swap3A_303, %swap3A_304], %swap3A_307 {strides = array<i32>} : memref<8x4096xf32, #tpu.memory_space<vmem>>, vector<1x16xf32>,
      %mul3A_308 = arith.constant 16 : i32
      %mul3A_309 = arith.muli %scan3A_272, %mul3A_308 : i32
      %get3A_310 = arith.constant 2 : i32
      %get3A_311 = arith.index_cast %get3A_310 : i32 to index
      %get3A_312 = arith.index_cast %mul3A_309 : i32 to index
      %get3A_313 = tpu.vector_load %arg8[%get3A_311, %get3A_312] {strides = array<i32>} : memref<8x4096xf32, #tpu.memory_space<vmem>>, vector<1x16xf32>,
      %get3A_314 = vector.shape_cast %get3A_313 : vector<1x16xf32> to vector<16xf32>
      %mul3A_315 = arith.mulf %get3A_314, %get3A_276 : vector<16xf32>
      %mul3A_316 = arith.constant 16 : i32
      %mul3A_317 = arith.muli %scan3A_272, %mul3A_316 : i32
      %swap3A_318 = arith.constant 2 : i32
      %swap3A_319 = arith.index_cast %swap3A_318 : i32 to index
      %swap3A_320 = arith.index_cast %mul3A_317 : i32 to index
      %swap3A_321 = tpu.vector_load %arg8[%swap3A_319, %swap3A_320] {strides = array<i32>} : memref<8x4096xf32, #tpu.memory_space<vmem>>, vector<1x16xf32>,
      %swap3A_322 = vector.shape_cast %swap3A_321 : vector<1x16xf32> to vector<16xf32>
      %swap3A_323 = vector.shape_cast %mul3A_315 : vector<16xf32> to vector<1x16xf32>
      tpu.vector_store %arg8[%swap3A_319, %swap3A_320], %swap3A_323 {strides = array<i32>} : memref<8x4096xf32, #tpu.memory_space<vmem>>, vector<1x16xf32>,
      %mul3A_324 = arith.constant 16 : i32
      %mul3A_325 = arith.muli %scan3A_272, %mul3A_324 : i32
      %get3A_326 = arith.constant 3 : i32
      %get3A_327 = arith.index_cast %get3A_326 : i32 to index
      %get3A_328 = arith.index_cast %mul3A_325 : i32 to index
      %get3A_329 = tpu.vector_load %arg8[%get3A_327, %get3A_328] {strides = array<i32>} : memref<8x4096xf32, #tpu.memory_space<vmem>>, vector<1x16xf32>,
      %get3A_330 = vector.shape_cast %get3A_329 : vector<1x16xf32> to vector<16xf32>
      %mul3A_331 = arith.mulf %get3A_330, %get3A_276 : vector<16xf32>
      %mul3A_332 = arith.constant 16 : i32
      %mul3A_333 = arith.muli %scan3A_272, %mul3A_332 : i32
      %swap3A_334 = arith.constant 3 : i32
      %swap3A_335 = arith.index_cast %swap3A_334 : i32 to index
      %swap3A_336 = arith.index_cast %mul3A_333 : i32 to index
      %swap3A_337 = tpu.vector_load %arg8[%swap3A_335, %swap3A_336] {strides = array<i32>} : memref<8x4096xf32, #tpu.memory_space<vmem>>, vector<1x16xf32>,
      %swap3A_338 = vector.shape_cast %swap3A_337 : vector<1x16xf32> to vector<16xf32>
      %swap3A_339 = vector.shape_cast %mul3A_331 : vector<16xf32> to vector<1x16xf32>
      tpu.vector_store %arg8[%swap3A_335, %swap3A_336], %swap3A_339 {strides = array<i32>} : memref<8x4096xf32, #tpu.memory_space<vmem>>, vector<1x16xf32>,
      %mul3A_340 = arith.constant 16 : i32
      %mul3A_341 = arith.muli %scan3A_272, %mul3A_340 : i32
      %get3A_342 = arith.constant 4 : i32
      %get3A_343 = arith.index_cast %get3A_342 : i32 to index
      %get3A_344 = arith.index_cast %mul3A_341 : i32 to index
      %get3A_345 = tpu.vector_load %arg8[%get3A_343, %get3A_344] {strides = array<i32>} : memref<8x4096xf32, #tpu.memory_space<vmem>>, vector<1x16xf32>,
      %get3A_346 = vector.shape_cast %get3A_345 : vector<1x16xf32> to vector<16xf32>
      %mul3A_347 = arith.mulf %get3A_346, %get3A_276 : vector<16xf32>
      %mul3A_348 = arith.constant 16 : i32
      %mul3A_349 = arith.muli %scan3A_272, %mul3A_348 : i32
      %swap3A_350 = arith.constant 4 : i32
      %swap3A_351 = arith.index_cast %swap3A_350 : i32 to index
      %swap3A_352 = arith.index_cast %mul3A_349 : i32 to index
      %swap3A_353 = tpu.vector_load %arg8[%swap3A_351, %swap3A_352] {strides = array<i32>} : memref<8x4096xf32, #tpu.memory_space<vmem>>, vector<1x16xf32>,
      %swap3A_354 = vector.shape_cast %swap3A_353 : vector<1x16xf32> to vector<16xf32>
      %swap3A_355 = vector.shape_cast %mul3A_347 : vector<16xf32> to vector<1x16xf32>
      tpu.vector_store %arg8[%swap3A_351, %swap3A_352], %swap3A_355 {strides = array<i32>} : memref<8x4096xf32, #tpu.memory_space<vmem>>, vector<1x16xf32>,
      %mul3A_356 = arith.constant 16 : i32
      %mul3A_357 = arith.muli %scan3A_272, %mul3A_356 : i32
      %get3A_358 = arith.constant 5 : i32
      %get3A_359 = arith.index_cast %get3A_358 : i32 to index
      %get3A_360 = arith.index_cast %mul3A_357 : i32 to index
      %get3A_361 = tpu.vector_load %arg8[%get3A_359, %get3A_360] {strides = array<i32>} : memref<8x4096xf32, #tpu.memory_space<vmem>>, vector<1x16xf32>,
      %get3A_362 = vector.shape_cast %get3A_361 : vector<1x16xf32> to vector<16xf32>
      %mul3A_363 = arith.mulf %get3A_362, %get3A_276 : vector<16xf32>
      %mul3A_364 = arith.constant 16 : i32
      %mul3A_365 = arith.muli %scan3A_272, %mul3A_364 : i32
      %swap3A_366 = arith.constant 5 : i32
      %swap3A_367 = arith.index_cast %swap3A_366 : i32 to index
      %swap3A_368 = arith.index_cast %mul3A_365 : i32 to index
      %swap3A_369 = tpu.vector_load %arg8[%swap3A_367, %swap3A_368] {strides = array<i32>} : memref<8x4096xf32, #tpu.memory_space<vmem>>, vector<1x16xf32>,
      %swap3A_370 = vector.shape_cast %swap3A_369 : vector<1x16xf32> to vector<16xf32>
      %swap3A_371 = vector.shape_cast %mul3A_363 : vector<16xf32> to vector<1x16xf32>
      tpu.vector_store %arg8[%swap3A_367, %swap3A_368], %swap3A_371 {strides = array<i32>} : memref<8x4096xf32, #tpu.memory_space<vmem>>, vector<1x16xf32>,
      %mul3A_372 = arith.constant 16 : i32
      %mul3A_373 = arith.muli %scan3A_272, %mul3A_372 : i32
      %get3A_374 = arith.constant 6 : i32
      %get3A_375 = arith.index_cast %get3A_374 : i32 to index
      %get3A_376 = arith.index_cast %mul3A_373 : i32 to index
      %get3A_377 = tpu.vector_load %arg8[%get3A_375, %get3A_376] {strides = array<i32>} : memref<8x4096xf32, #tpu.memory_space<vmem>>, vector<1x16xf32>,
      %get3A_378 = vector.shape_cast %get3A_377 : vector<1x16xf32> to vector<16xf32>
      %mul3A_379 = arith.mulf %get3A_378, %get3A_276 : vector<16xf32>
      %mul3A_380 = arith.constant 16 : i32
      %mul3A_381 = arith.muli %scan3A_272, %mul3A_380 : i32
      %swap3A_382 = arith.constant 6 : i32
      %swap3A_383 = arith.index_cast %swap3A_382 : i32 to index
      %swap3A_384 = arith.index_cast %mul3A_381 : i32 to index
      %swap3A_385 = tpu.vector_load %arg8[%swap3A_383, %swap3A_384] {strides = array<i32>} : memref<8x4096xf32, #tpu.memory_space<vmem>>, vector<1x16xf32>,
      %swap3A_386 = vector.shape_cast %swap3A_385 : vector<1x16xf32> to vector<16xf32>
      %swap3A_387 = vector.shape_cast %mul3A_379 : vector<16xf32> to vector<1x16xf32>
      tpu.vector_store %arg8[%swap3A_383, %swap3A_384], %swap3A_387 {strides = array<i32>} : memref<8x4096xf32, #tpu.memory_space<vmem>>, vector<1x16xf32>,
      %mul3A_388 = arith.constant 16 : i32
      %mul3A_389 = arith.muli %scan3A_272, %mul3A_388 : i32
      %get3A_390 = arith.constant 7 : i32
      %get3A_391 = arith.index_cast %get3A_390 : i32 to index
      %get3A_392 = arith.index_cast %mul3A_389 : i32 to index
      %get3A_393 = tpu.vector_load %arg8[%get3A_391, %get3A_392] {strides = array<i32>} : memref<8x4096xf32, #tpu.memory_space<vmem>>, vector<1x16xf32>,
      %get3A_394 = vector.shape_cast %get3A_393 : vector<1x16xf32> to vector<16xf32>
      %mul3A_395 = arith.mulf %get3A_394, %get3A_276 : vector<16xf32>
      %mul3A_396 = arith.constant 16 : i32
      %mul3A_397 = arith.muli %scan3A_272, %mul3A_396 : i32
      %swap3A_398 = arith.constant 7 : i32
      %swap3A_399 = arith.index_cast %swap3A_398 : i32 to index
      %swap3A_400 = arith.index_cast %mul3A_397 : i32 to index
      %swap3A_401 = tpu.vector_load %arg8[%swap3A_399, %swap3A_400] {strides = array<i32>} : memref<8x4096xf32, #tpu.memory_space<vmem>>, vector<1x16xf32>,
      %swap3A_402 = vector.shape_cast %swap3A_401 : vector<1x16xf32> to vector<16xf32>
      %swap3A_403 = vector.shape_cast %mul3A_395 : vector<16xf32> to vector<1x16xf32>
      tpu.vector_store %arg8[%swap3A_399, %swap3A_400], %swap3A_403 {strides = array<i32>} : memref<8x4096xf32, #tpu.memory_space<vmem>>, vector<1x16xf32>,
    }
    %scan3A_91 = arith.constant 256 : i32
    %add3A_92 = arith.constant 16 : i32
    %add3A_93 = arith.addi %mul3A_2, %add3A_92 : i32
    %dma_start3A_94 = arith.constant 0 : i32
    %dma_start3A_95 = tpu.memref_slice %arg4[%add3A_93, %dma_start3A_94] : memref<2048x4096xf32, #tpu.memory_space<hbm>> -> memref<8x4096xf32, #tpu.memory_space<hbm>>
    %dma_start3A_96 = arith.constant 0 : i32
    %dma_start3A_97 = tpu.memref_slice %arg4[%add3A_93, %dma_start3A_96] : memref<2048x4096xf32, #tpu.memory_space<hbm>> -> memref<8x4096xf32, #tpu.memory_space<hbm>>
    tpu.enqueue_dma source(%arg8 : memref<8x4096xf32, #tpu.memory_space<vmem>>) target(%dma_start3A_97 : memref<8x4096xf32, #tpu.memory_space<hbm>>) target_semaphore(%arg14 : memref<!tpu.dma_semaphore, #tpu.memory_space<semaphore_mem>>)
    %add3A_98 = arith.constant 8 : i32
    %add3A_99 = arith.addi %mul3A_2, %add3A_98 : i32
    %dma_wait3A_100 = arith.constant 0 : i32
    %dma_wait3A_101 = tpu.memref_slice %arg4[%add3A_99, %dma_wait3A_100] : memref<2048x4096xf32, #tpu.memory_space<hbm>> -> memref<8x4096xf32, #tpu.memory_space<hbm>>
    %dma_wait3A_102 = arith.constant 0 : i32
    %dma_wait3A_103 = tpu.memref_slice %arg4[%add3A_99, %dma_wait3A_102] : memref<2048x4096xf32, #tpu.memory_space<hbm>> -> memref<8x4096xf32, #tpu.memory_space<hbm>>
    tpu.wait_dma2 semaphore(%arg13 : memref<!tpu.dma_semaphore, #tpu.memory_space<semaphore_mem>>) src(%arg7 : memref<8x4096xf32, #tpu.memory_space<vmem>>) dst(%dma_wait3A_103 : memref<8x4096xf32, #tpu.memory_space<hbm>>)
    %add3A_104 = arith.constant 6144 : i32
    %add3A_105 = arith.addi %add3A_104, %mul3A_2 : i32
    %add3A_106 = arith.constant 32 : i32
    %add3A_107 = arith.addi %add3A_105, %add3A_106 : i32
    %dma_start3A_108 = arith.constant 0 : i32
    %dma_start3A_109 = tpu.memref_slice %arg2[%add3A_107, %dma_start3A_108] : memref<8192x4096xf32, #tpu.memory_space<hbm>> -> memref<8x4096xf32, #tpu.memory_space<hbm>>
    %dma_start3A_110 = arith.constant 0 : i32
    %dma_start3A_111 = tpu.memref_slice %arg2[%add3A_107, %dma_start3A_110] : memref<8192x4096xf32, #tpu.memory_space<hbm>> -> memref<8x4096xf32, #tpu.memory_space<hbm>>
    tpu.enqueue_dma source(%dma_start3A_111 : memref<8x4096xf32, #tpu.memory_space<hbm>>) target(%arg7 : memref<8x4096xf32, #tpu.memory_space<vmem>>) target_semaphore(%arg10 : memref<!tpu.dma_semaphore, #tpu.memory_space<semaphore_mem>>)
    %add3A_112 = arith.constant 6144 : i32
    %add3A_113 = arith.addi %add3A_112, %mul3A_2 : i32
    %add3A_114 = arith.constant 24 : i32
    %add3A_115 = arith.addi %add3A_113, %add3A_114 : i32
    %dma_wait3A_116 = arith.constant 0 : i32
    %dma_wait3A_117 = tpu.memref_slice %arg2[%add3A_115, %dma_wait3A_116] : memref<8192x4096xf32, #tpu.memory_space<hbm>> -> memref<8x4096xf32, #tpu.memory_space<hbm>>
    %dma_wait3A_118 = arith.constant 0 : i32
    %dma_wait3A_119 = tpu.memref_slice %arg2[%add3A_115, %dma_wait3A_118] : memref<8192x4096xf32, #tpu.memory_space<hbm>> -> memref<8x4096xf32, #tpu.memory_space<hbm>>
    tpu.wait_dma2 semaphore(%arg9 : memref<!tpu.dma_semaphore, #tpu.memory_space<semaphore_mem>>) src(%dma_wait3A_119 : memref<8x4096xf32, #tpu.memory_space<hbm>>) dst(%arg6 : memref<8x4096xf32, #tpu.memory_space<vmem>>)
    %scan3A_120 = arith.constant 0 : i32
    %scan3A_121 = arith.constant 0 : i32
    %scan3A_122 = arith.constant 256 : i32
    %scan3A_123 = arith.addi %scan3A_121, %scan3A_122 : i32
    %scan3A_124 = arith.constant 1 : i32
    scf.for %scan3A_272 = %scan3A_121 to %scan3A_123 step %scan3A_124  : i32 {
      %mul3A_273 = arith.constant 16 : i32
      %mul3A_274 = arith.muli %scan3A_272, %mul3A_273 : i32
      %get3A = arith.index_cast %mul3A_274 : i32 to index
      %get3A_275 = tpu.vector_load %arg5[%get3A] {strides = array<i32>} : memref<4096xf32, #tpu.memory_space<vmem>>, vector<16xf32>,
      %get3A_276 = vector.shape_cast %get3A_275 : vector<16xf32> to vector<16xf32>
      %mul3A_277 = arith.constant 16 : i32
      %mul3A_278 = arith.muli %scan3A_272, %mul3A_277 : i32
      %get3A_279 = arith.constant 0 : i32
      %get3A_280 = arith.index_cast %get3A_279 : i32 to index
      %get3A_281 = arith.index_cast %mul3A_278 : i32 to index
      %get3A_282 = tpu.vector_load %arg6[%get3A_280, %get3A_281] {strides = array<i32>} : memref<8x4096xf32, #tpu.memory_space<vmem>>, vector<1x16xf32>,
      %get3A_283 = vector.shape_cast %get3A_282 : vector<1x16xf32> to vector<16xf32>
      %mul3A_284 = arith.mulf %get3A_283, %get3A_276 : vector<16xf32>
      %mul3A_285 = arith.constant 16 : i32
      %mul3A_286 = arith.muli %scan3A_272, %mul3A_285 : i32
      %swap3A = arith.constant 0 : i32
      %swap3A_287 = arith.index_cast %swap3A : i32 to index
      %swap3A_288 = arith.index_cast %mul3A_286 : i32 to index
      %swap3A_289 = tpu.vector_load %arg6[%swap3A_287, %swap3A_288] {strides = array<i32>} : memref<8x4096xf32, #tpu.memory_space<vmem>>, vector<1x16xf32>,
      %swap3A_290 = vector.shape_cast %swap3A_289 : vector<1x16xf32> to vector<16xf32>
      %swap3A_291 = vector.shape_cast %mul3A_284 : vector<16xf32> to vector<1x16xf32>
      tpu.vector_store %arg6[%swap3A_287, %swap3A_288], %swap3A_291 {strides = array<i32>} : memref<8x4096xf32, #tpu.memory_space<vmem>>, vector<1x16xf32>,
      %mul3A_292 = arith.constant 16 : i32
      %mul3A_293 = arith.muli %scan3A_272, %mul3A_292 : i32
      %get3A_294 = arith.constant 1 : i32
      %get3A_295 = arith.index_cast %get3A_294 : i32 to index
      %get3A_296 = arith.index_cast %mul3A_293 : i32 to index
      %get3A_297 = tpu.vector_load %arg6[%get3A_295, %get3A_296] {strides = array<i32>} : memref<8x4096xf32, #tpu.memory_space<vmem>>, vector<1x16xf32>,
      %get3A_298 = vector.shape_cast %get3A_297 : vector<1x16xf32> to vector<16xf32>
      %mul3A_299 = arith.mulf %get3A_298, %get3A_276 : vector<16xf32>
      %mul3A_300 = arith.constant 16 : i32
      %mul3A_301 = arith.muli %scan3A_272, %mul3A_300 : i32
      %swap3A_302 = arith.constant 1 : i32
      %swap3A_303 = arith.index_cast %swap3A_302 : i32 to index
      %swap3A_304 = arith.index_cast %mul3A_301 : i32 to index
      %swap3A_305 = tpu.vector_load %arg6[%swap3A_303, %swap3A_304] {strides = array<i32>} : memref<8x4096xf32, #tpu.memory_space<vmem>>, vector<1x16xf32>,
      %swap3A_306 = vector.shape_cast %swap3A_305 : vector<1x16xf32> to vector<16xf32>
      %swap3A_307 = vector.shape_cast %mul3A_299 : vector<16xf32> to vector<1x16xf32>
      tpu.vector_store %arg6[%swap3A_303, %swap3A_304], %swap3A_307 {strides = array<i32>} : memref<8x4096xf32, #tpu.memory_space<vmem>>, vector<1x16xf32>,
      %mul3A_308 = arith.constant 16 : i32
      %mul3A_309 = arith.muli %scan3A_272, %mul3A_308 : i32
      %get3A_310 = arith.constant 2 : i32
      %get3A_311 = arith.index_cast %get3A_310 : i32 to index
      %get3A_312 = arith.index_cast %mul3A_309 : i32 to index
      %get3A_313 = tpu.vector_load %arg6[%get3A_311, %get3A_312] {strides = array<i32>} : memref<8x4096xf32, #tpu.memory_space<vmem>>, vector<1x16xf32>,
      %get3A_314 = vector.shape_cast %get3A_313 : vector<1x16xf32> to vector<16xf32>
      %mul3A_315 = arith.mulf %get3A_314, %get3A_276 : vector<16xf32>
      %mul3A_316 = arith.constant 16 : i32
      %mul3A_317 = arith.muli %scan3A_272, %mul3A_316 : i32
      %swap3A_318 = arith.constant 2 : i32
      %swap3A_319 = arith.index_cast %swap3A_318 : i32 to index
      %swap3A_320 = arith.index_cast %mul3A_317 : i32 to index
      %swap3A_321 = tpu.vector_load %arg6[%swap3A_319, %swap3A_320] {strides = array<i32>} : memref<8x4096xf32, #tpu.memory_space<vmem>>, vector<1x16xf32>,
      %swap3A_322 = vector.shape_cast %swap3A_321 : vector<1x16xf32> to vector<16xf32>
      %swap3A_323 = vector.shape_cast %mul3A_315 : vector<16xf32> to vector<1x16xf32>
      tpu.vector_store %arg6[%swap3A_319, %swap3A_320], %swap3A_323 {strides = array<i32>} : memref<8x4096xf32, #tpu.memory_space<vmem>>, vector<1x16xf32>,
      %mul3A_324 = arith.constant 16 : i32
      %mul3A_325 = arith.muli %scan3A_272, %mul3A_324 : i32
      %get3A_326 = arith.constant 3 : i32
      %get3A_327 = arith.index_cast %get3A_326 : i32 to index
      %get3A_328 = arith.index_cast %mul3A_325 : i32 to index
      %get3A_329 = tpu.vector_load %arg6[%get3A_327, %get3A_328] {strides = array<i32>} : memref<8x4096xf32, #tpu.memory_space<vmem>>, vector<1x16xf32>,
      %get3A_330 = vector.shape_cast %get3A_329 : vector<1x16xf32> to vector<16xf32>
      %mul3A_331 = arith.mulf %get3A_330, %get3A_276 : vector<16xf32>
      %mul3A_332 = arith.constant 16 : i32
      %mul3A_333 = arith.muli %scan3A_272, %mul3A_332 : i32
      %swap3A_334 = arith.constant 3 : i32
      %swap3A_335 = arith.index_cast %swap3A_334 : i32 to index
      %swap3A_336 = arith.index_cast %mul3A_333 : i32 to index
      %swap3A_337 = tpu.vector_load %arg6[%swap3A_335, %swap3A_336] {strides = array<i32>} : memref<8x4096xf32, #tpu.memory_space<vmem>>, vector<1x16xf32>,
      %swap3A_338 = vector.shape_cast %swap3A_337 : vector<1x16xf32> to vector<16xf32>
      %swap3A_339 = vector.shape_cast %mul3A_331 : vector<16xf32> to vector<1x16xf32>
      tpu.vector_store %arg6[%swap3A_335, %swap3A_336], %swap3A_339 {strides = array<i32>} : memref<8x4096xf32, #tpu.memory_space<vmem>>, vector<1x16xf32>,
      %mul3A_340 = arith.constant 16 : i32
      %mul3A_341 = arith.muli %scan3A_272, %mul3A_340 : i32
      %get3A_342 = arith.constant 4 : i32
      %get3A_343 = arith.index_cast %get3A_342 : i32 to index
      %get3A_344 = arith.index_cast %mul3A_341 : i32 to index
      %get3A_345 = tpu.vector_load %arg6[%get3A_343, %get3A_344] {strides = array<i32>} : memref<8x4096xf32, #tpu.memory_space<vmem>>, vector<1x16xf32>,
      %get3A_346 = vector.shape_cast %get3A_345 : vector<1x16xf32> to vector<16xf32>
      %mul3A_347 = arith.mulf %get3A_346, %get3A_276 : vector<16xf32>
      %mul3A_348 = arith.constant 16 : i32
      %mul3A_349 = arith.muli %scan3A_272, %mul3A_348 : i32
      %swap3A_350 = arith.constant 4 : i32
      %swap3A_351 = arith.index_cast %swap3A_350 : i32 to index
      %swap3A_352 = arith.index_cast %mul3A_349 : i32 to index
      %swap3A_353 = tpu.vector_load %arg6[%swap3A_351, %swap3A_352] {strides = array<i32>} : memref<8x4096xf32, #tpu.memory_space<vmem>>, vector<1x16xf32>,
      %swap3A_354 = vector.shape_cast %swap3A_353 : vector<1x16xf32> to vector<16xf32>
      %swap3A_355 = vector.shape_cast %mul3A_347 : vector<16xf32> to vector<1x16xf32>
      tpu.vector_store %arg6[%swap3A_351, %swap3A_352], %swap3A_355 {strides = array<i32>} : memref<8x4096xf32, #tpu.memory_space<vmem>>, vector<1x16xf32>,
      %mul3A_356 = arith.constant 16 : i32
      %mul3A_357 = arith.muli %scan3A_272, %mul3A_356 : i32
      %get3A_358 = arith.constant 5 : i32
      %get3A_359 = arith.index_cast %get3A_358 : i32 to index
      %get3A_360 = arith.index_cast %mul3A_357 : i32 to index
      %get3A_361 = tpu.vector_load %arg6[%get3A_359, %get3A_360] {strides = array<i32>} : memref<8x4096xf32, #tpu.memory_space<vmem>>, vector<1x16xf32>,
      %get3A_362 = vector.shape_cast %get3A_361 : vector<1x16xf32> to vector<16xf32>
      %mul3A_363 = arith.mulf %get3A_362, %get3A_276 : vector<16xf32>
      %mul3A_364 = arith.constant 16 : i32
      %mul3A_365 = arith.muli %scan3A_272, %mul3A_364 : i32
      %swap3A_366 = arith.constant 5 : i32
      %swap3A_367 = arith.index_cast %swap3A_366 : i32 to index
      %swap3A_368 = arith.index_cast %mul3A_365 : i32 to index
      %swap3A_369 = tpu.vector_load %arg6[%swap3A_367, %swap3A_368] {strides = array<i32>} : memref<8x4096xf32, #tpu.memory_space<vmem>>, vector<1x16xf32>,
      %swap3A_370 = vector.shape_cast %swap3A_369 : vector<1x16xf32> to vector<16xf32>
      %swap3A_371 = vector.shape_cast %mul3A_363 : vector<16xf32> to vector<1x16xf32>
      tpu.vector_store %arg6[%swap3A_367, %swap3A_368], %swap3A_371 {strides = array<i32>} : memref<8x4096xf32, #tpu.memory_space<vmem>>, vector<1x16xf32>,
      %mul3A_372 = arith.constant 16 : i32
      %mul3A_373 = arith.muli %scan3A_272, %mul3A_372 : i32
      %get3A_374 = arith.constant 6 : i32
      %get3A_375 = arith.index_cast %get3A_374 : i32 to index
      %get3A_376 = arith.index_cast %mul3A_373 : i32 to index
      %get3A_377 = tpu.vector_load %arg6[%get3A_375, %get3A_376] {strides = array<i32>} : memref<8x4096xf32, #tpu.memory_space<vmem>>, vector<1x16xf32>,
      %get3A_378 = vector.shape_cast %get3A_377 : vector<1x16xf32> to vector<16xf32>
      %mul3A_379 = arith.mulf %get3A_378, %get3A_276 : vector<16xf32>
      %mul3A_380 = arith.constant 16 : i32
      %mul3A_381 = arith.muli %scan3A_272, %mul3A_380 : i32
      %swap3A_382 = arith.constant 6 : i32
      %swap3A_383 = arith.index_cast %swap3A_382 : i32 to index
      %swap3A_384 = arith.index_cast %mul3A_381 : i32 to index
      %swap3A_385 = tpu.vector_load %arg6[%swap3A_383, %swap3A_384] {strides = array<i32>} : memref<8x4096xf32, #tpu.memory_space<vmem>>, vector<1x16xf32>,
      %swap3A_386 = vector.shape_cast %swap3A_385 : vector<1x16xf32> to vector<16xf32>
      %swap3A_387 = vector.shape_cast %mul3A_379 : vector<16xf32> to vector<1x16xf32>
      tpu.vector_store %arg6[%swap3A_383, %swap3A_384], %swap3A_387 {strides = array<i32>} : memref<8x4096xf32, #tpu.memory_space<vmem>>, vector<1x16xf32>,
      %mul3A_388 = arith.constant 16 : i32
      %mul3A_389 = arith.muli %scan3A_272, %mul3A_388 : i32
      %get3A_390 = arith.constant 7 : i32
      %get3A_391 = arith.index_cast %get3A_390 : i32 to index
      %get3A_392 = arith.index_cast %mul3A_389 : i32 to index
      %get3A_393 = tpu.vector_load %arg6[%get3A_391, %get3A_392] {strides = array<i32>} : memref<8x4096xf32, #tpu.memory_space<vmem>>, vector<1x16xf32>,
      %get3A_394 = vector.shape_cast %get3A_393 : vector<1x16xf32> to vector<16xf32>
      %mul3A_395 = arith.mulf %get3A_394, %get3A_276 : vector<16xf32>
      %mul3A_396 = arith.constant 16 : i32
      %mul3A_397 = arith.muli %scan3A_272, %mul3A_396 : i32
      %swap3A_398 = arith.constant 7 : i32
      %swap3A_399 = arith.index_cast %swap3A_398 : i32 to index
      %swap3A_400 = arith.index_cast %mul3A_397 : i32 to index
      %swap3A_401 = tpu.vector_load %arg6[%swap3A_399, %swap3A_400] {strides = array<i32>} : memref<8x4096xf32, #tpu.memory_space<vmem>>, vector<1x16xf32>,
      %swap3A_402 = vector.shape_cast %swap3A_401 : vector<1x16xf32> to vector<16xf32>
      %swap3A_403 = vector.shape_cast %mul3A_395 : vector<16xf32> to vector<1x16xf32>
      tpu.vector_store %arg6[%swap3A_399, %swap3A_400], %swap3A_403 {strides = array<i32>} : memref<8x4096xf32, #tpu.memory_space<vmem>>, vector<1x16xf32>,
    }
    %scan3A_125 = arith.constant 256 : i32
    %add3A_126 = arith.constant 24 : i32
    %add3A_127 = arith.addi %mul3A_2, %add3A_126 : i32
    %dma_start3A_128 = arith.constant 0 : i32
    %dma_start3A_129 = tpu.memref_slice %arg4[%add3A_127, %dma_start3A_128] : memref<2048x4096xf32, #tpu.memory_space<hbm>> -> memref<8x4096xf32, #tpu.memory_space<hbm>>
    %dma_start3A_130 = arith.constant 0 : i32
    %dma_start3A_131 = tpu.memref_slice %arg4[%add3A_127, %dma_start3A_130] : memref<2048x4096xf32, #tpu.memory_space<hbm>> -> memref<8x4096xf32, #tpu.memory_space<hbm>>
    tpu.enqueue_dma source(%arg6 : memref<8x4096xf32, #tpu.memory_space<vmem>>) target(%dma_start3A_131 : memref<8x4096xf32, #tpu.memory_space<hbm>>) target_semaphore(%arg12 : memref<!tpu.dma_semaphore, #tpu.memory_space<semaphore_mem>>)
    %add3A_132 = arith.constant 16 : i32
    %add3A_133 = arith.addi %mul3A_2, %add3A_132 : i32
    %dma_wait3A_134 = arith.constant 0 : i32
    %dma_wait3A_135 = tpu.memref_slice %arg4[%add3A_133, %dma_wait3A_134] : memref<2048x4096xf32, #tpu.memory_space<hbm>> -> memref<8x4096xf32, #tpu.memory_space<hbm>>
    %dma_wait3A_136 = arith.constant 0 : i32
    %dma_wait3A_137 = tpu.memref_slice %arg4[%add3A_133, %dma_wait3A_136] : memref<2048x4096xf32, #tpu.memory_space<hbm>> -> memref<8x4096xf32, #tpu.memory_space<hbm>>
    tpu.wait_dma2 semaphore(%arg14 : memref<!tpu.dma_semaphore, #tpu.memory_space<semaphore_mem>>) src(%arg8 : memref<8x4096xf32, #tpu.memory_space<vmem>>) dst(%dma_wait3A_137 : memref<8x4096xf32, #tpu.memory_space<hbm>>)
    %add3A_138 = arith.constant 6144 : i32
    %add3A_139 = arith.addi %add3A_138, %mul3A_2 : i32
    %add3A_140 = arith.constant 40 : i32
    %add3A_141 = arith.addi %add3A_139, %add3A_140 : i32
    %dma_start3A_142 = arith.constant 0 : i32
    %dma_start3A_143 = tpu.memref_slice %arg2[%add3A_141, %dma_start3A_142] : memref<8192x4096xf32, #tpu.memory_space<hbm>> -> memref<8x4096xf32, #tpu.memory_space<hbm>>
    %dma_start3A_144 = arith.constant 0 : i32
    %dma_start3A_145 = tpu.memref_slice %arg2[%add3A_141, %dma_start3A_144] : memref<8192x4096xf32, #tpu.memory_space<hbm>> -> memref<8x4096xf32, #tpu.memory_space<hbm>>
    tpu.enqueue_dma source(%dma_start3A_145 : memref<8x4096xf32, #tpu.memory_space<hbm>>) target(%arg8 : memref<8x4096xf32, #tpu.memory_space<vmem>>) target_semaphore(%arg11 : memref<!tpu.dma_semaphore, #tpu.memory_space<semaphore_mem>>)
    %add3A_146 = arith.constant 6144 : i32
    %add3A_147 = arith.addi %add3A_146, %mul3A_2 : i32
    %add3A_148 = arith.constant 32 : i32
    %add3A_149 = arith.addi %add3A_147, %add3A_148 : i32
    %dma_wait3A_150 = arith.constant 0 : i32
    %dma_wait3A_151 = tpu.memref_slice %arg2[%add3A_149, %dma_wait3A_150] : memref<8192x4096xf32, #tpu.memory_space<hbm>> -> memref<8x4096xf32, #tpu.memory_space<hbm>>
    %dma_wait3A_152 = arith.constant 0 : i32
    %dma_wait3A_153 = tpu.memref_slice %arg2[%add3A_149, %dma_wait3A_152] : memref<8192x4096xf32, #tpu.memory_space<hbm>> -> memref<8x4096xf32, #tpu.memory_space<hbm>>
    tpu.wait_dma2 semaphore(%arg10 : memref<!tpu.dma_semaphore, #tpu.memory_space<semaphore_mem>>) src(%dma_wait3A_153 : memref<8x4096xf32, #tpu.memory_space<hbm>>) dst(%arg7 : memref<8x4096xf32, #tpu.memory_space<vmem>>)
    %scan3A_154 = arith.constant 0 : i32
    %scan3A_155 = arith.constant 0 : i32
    %scan3A_156 = arith.constant 256 : i32
    %scan3A_157 = arith.addi %scan3A_155, %scan3A_156 : i32
    %scan3A_158 = arith.constant 1 : i32
    scf.for %scan3A_272 = %scan3A_155 to %scan3A_157 step %scan3A_158  : i32 {
      %mul3A_273 = arith.constant 16 : i32
      %mul3A_274 = arith.muli %scan3A_272, %mul3A_273 : i32
      %get3A = arith.index_cast %mul3A_274 : i32 to index
      %get3A_275 = tpu.vector_load %arg5[%get3A] {strides = array<i32>} : memref<4096xf32, #tpu.memory_space<vmem>>, vector<16xf32>,
      %get3A_276 = vector.shape_cast %get3A_275 : vector<16xf32> to vector<16xf32>
      %mul3A_277 = arith.constant 16 : i32
      %mul3A_278 = arith.muli %scan3A_272, %mul3A_277 : i32
      %get3A_279 = arith.constant 0 : i32
      %get3A_280 = arith.index_cast %get3A_279 : i32 to index
      %get3A_281 = arith.index_cast %mul3A_278 : i32 to index
      %get3A_282 = tpu.vector_load %arg7[%get3A_280, %get3A_281] {strides = array<i32>} : memref<8x4096xf32, #tpu.memory_space<vmem>>, vector<1x16xf32>,
      %get3A_283 = vector.shape_cast %get3A_282 : vector<1x16xf32> to vector<16xf32>
      %mul3A_284 = arith.mulf %get3A_283, %get3A_276 : vector<16xf32>
      %mul3A_285 = arith.constant 16 : i32
      %mul3A_286 = arith.muli %scan3A_272, %mul3A_285 : i32
      %swap3A = arith.constant 0 : i32
      %swap3A_287 = arith.index_cast %swap3A : i32 to index
      %swap3A_288 = arith.index_cast %mul3A_286 : i32 to index
      %swap3A_289 = tpu.vector_load %arg7[%swap3A_287, %swap3A_288] {strides = array<i32>} : memref<8x4096xf32, #tpu.memory_space<vmem>>, vector<1x16xf32>,
      %swap3A_290 = vector.shape_cast %swap3A_289 : vector<1x16xf32> to vector<16xf32>
      %swap3A_291 = vector.shape_cast %mul3A_284 : vector<16xf32> to vector<1x16xf32>
      tpu.vector_store %arg7[%swap3A_287, %swap3A_288], %swap3A_291 {strides = array<i32>} : memref<8x4096xf32, #tpu.memory_space<vmem>>, vector<1x16xf32>,
      %mul3A_292 = arith.constant 16 : i32
      %mul3A_293 = arith.muli %scan3A_272, %mul3A_292 : i32
      %get3A_294 = arith.constant 1 : i32
      %get3A_295 = arith.index_cast %get3A_294 : i32 to index
      %get3A_296 = arith.index_cast %mul3A_293 : i32 to index
      %get3A_297 = tpu.vector_load %arg7[%get3A_295, %get3A_296] {strides = array<i32>} : memref<8x4096xf32, #tpu.memory_space<vmem>>, vector<1x16xf32>,
      %get3A_298 = vector.shape_cast %get3A_297 : vector<1x16xf32> to vector<16xf32>
      %mul3A_299 = arith.mulf %get3A_298, %get3A_276 : vector<16xf32>
      %mul3A_300 = arith.constant 16 : i32
      %mul3A_301 = arith.muli %scan3A_272, %mul3A_300 : i32
      %swap3A_302 = arith.constant 1 : i32
      %swap3A_303 = arith.index_cast %swap3A_302 : i32 to index
      %swap3A_304 = arith.index_cast %mul3A_301 : i32 to index
      %swap3A_305 = tpu.vector_load %arg7[%swap3A_303, %swap3A_304] {strides = array<i32>} : memref<8x4096xf32, #tpu.memory_space<vmem>>, vector<1x16xf32>,
      %swap3A_306 = vector.shape_cast %swap3A_305 : vector<1x16xf32> to vector<16xf32>
      %swap3A_307 = vector.shape_cast %mul3A_299 : vector<16xf32> to vector<1x16xf32>
      tpu.vector_store %arg7[%swap3A_303, %swap3A_304], %swap3A_307 {strides = array<i32>} : memref<8x4096xf32, #tpu.memory_space<vmem>>, vector<1x16xf32>,
      %mul3A_308 = arith.constant 16 : i32
      %mul3A_309 = arith.muli %scan3A_272, %mul3A_308 : i32
      %get3A_310 = arith.constant 2 : i32
      %get3A_311 = arith.index_cast %get3A_310 : i32 to index
      %get3A_312 = arith.index_cast %mul3A_309 : i32 to index
      %get3A_313 = tpu.vector_load %arg7[%get3A_311, %get3A_312] {strides = array<i32>} : memref<8x4096xf32, #tpu.memory_space<vmem>>, vector<1x16xf32>,
      %get3A_314 = vector.shape_cast %get3A_313 : vector<1x16xf32> to vector<16xf32>
      %mul3A_315 = arith.mulf %get3A_314, %get3A_276 : vector<16xf32>
      %mul3A_316 = arith.constant 16 : i32
      %mul3A_317 = arith.muli %scan3A_272, %mul3A_316 : i32
      %swap3A_318 = arith.constant 2 : i32
      %swap3A_319 = arith.index_cast %swap3A_318 : i32 to index
      %swap3A_320 = arith.index_cast %mul3A_317 : i32 to index
      %swap3A_321 = tpu.vector_load %arg7[%swap3A_319, %swap3A_320] {strides = array<i32>} : memref<8x4096xf32, #tpu.memory_space<vmem>>, vector<1x16xf32>,
      %swap3A_322 = vector.shape_cast %swap3A_321 : vector<1x16xf32> to vector<16xf32>
      %swap3A_323 = vector.shape_cast %mul3A_315 : vector<16xf32> to vector<1x16xf32>
      tpu.vector_store %arg7[%swap3A_319, %swap3A_320], %swap3A_323 {strides = array<i32>} : memref<8x4096xf32, #tpu.memory_space<vmem>>, vector<1x16xf32>,
      %mul3A_324 = arith.constant 16 : i32
      %mul3A_325 = arith.muli %scan3A_272, %mul3A_324 : i32
      %get3A_326 = arith.constant 3 : i32
      %get3A_327 = arith.index_cast %get3A_326 : i32 to index
      %get3A_328 = arith.index_cast %mul3A_325 : i32 to index
      %get3A_329 = tpu.vector_load %arg7[%get3A_327, %get3A_328] {strides = array<i32>} : memref<8x4096xf32, #tpu.memory_space<vmem>>, vector<1x16xf32>,
      %get3A_330 = vector.shape_cast %get3A_329 : vector<1x16xf32> to vector<16xf32>
      %mul3A_331 = arith.mulf %get3A_330, %get3A_276 : vector<16xf32>
      %mul3A_332 = arith.constant 16 : i32
      %mul3A_333 = arith.muli %scan3A_272, %mul3A_332 : i32
      %swap3A_334 = arith.constant 3 : i32
      %swap3A_335 = arith.index_cast %swap3A_334 : i32 to index
      %swap3A_336 = arith.index_cast %mul3A_333 : i32 to index
      %swap3A_337 = tpu.vector_load %arg7[%swap3A_335, %swap3A_336] {strides = array<i32>} : memref<8x4096xf32, #tpu.memory_space<vmem>>, vector<1x16xf32>,
      %swap3A_338 = vector.shape_cast %swap3A_337 : vector<1x16xf32> to vector<16xf32>
      %swap3A_339 = vector.shape_cast %mul3A_331 : vector<16xf32> to vector<1x16xf32>
      tpu.vector_store %arg7[%swap3A_335, %swap3A_336], %swap3A_339 {strides = array<i32>} : memref<8x4096xf32, #tpu.memory_space<vmem>>, vector<1x16xf32>,
      %mul3A_340 = arith.constant 16 : i32
      %mul3A_341 = arith.muli %scan3A_272, %mul3A_340 : i32
      %get3A_342 = arith.constant 4 : i32
      %get3A_343 = arith.index_cast %get3A_342 : i32 to index
      %get3A_344 = arith.index_cast %mul3A_341 : i32 to index
      %get3A_345 = tpu.vector_load %arg7[%get3A_343, %get3A_344] {strides = array<i32>} : memref<8x4096xf32, #tpu.memory_space<vmem>>, vector<1x16xf32>,
      %get3A_346 = vector.shape_cast %get3A_345 : vector<1x16xf32> to vector<16xf32>
      %mul3A_347 = arith.mulf %get3A_346, %get3A_276 : vector<16xf32>
      %mul3A_348 = arith.constant 16 : i32
      %mul3A_349 = arith.muli %scan3A_272, %mul3A_348 : i32
      %swap3A_350 = arith.constant 4 : i32
      %swap3A_351 = arith.index_cast %swap3A_350 : i32 to index
      %swap3A_352 = arith.index_cast %mul3A_349 : i32 to index
      %swap3A_353 = tpu.vector_load %arg7[%swap3A_351, %swap3A_352] {strides = array<i32>} : memref<8x4096xf32, #tpu.memory_space<vmem>>, vector<1x16xf32>,
      %swap3A_354 = vector.shape_cast %swap3A_353 : vector<1x16xf32> to vector<16xf32>
      %swap3A_355 = vector.shape_cast %mul3A_347 : vector<16xf32> to vector<1x16xf32>
      tpu.vector_store %arg7[%swap3A_351, %swap3A_352], %swap3A_355 {strides = array<i32>} : memref<8x4096xf32, #tpu.memory_space<vmem>>, vector<1x16xf32>,
      %mul3A_356 = arith.constant 16 : i32
      %mul3A_357 = arith.muli %scan3A_272, %mul3A_356 : i32
      %get3A_358 = arith.constant 5 : i32
      %get3A_359 = arith.index_cast %get3A_358 : i32 to index
      %get3A_360 = arith.index_cast %mul3A_357 : i32 to index
      %get3A_361 = tpu.vector_load %arg7[%get3A_359, %get3A_360] {strides = array<i32>} : memref<8x4096xf32, #tpu.memory_space<vmem>>, vector<1x16xf32>,
      %get3A_362 = vector.shape_cast %get3A_361 : vector<1x16xf32> to vector<16xf32>
      %mul3A_363 = arith.mulf %get3A_362, %get3A_276 : vector<16xf32>
      %mul3A_364 = arith.constant 16 : i32
      %mul3A_365 = arith.muli %scan3A_272, %mul3A_364 : i32
      %swap3A_366 = arith.constant 5 : i32
      %swap3A_367 = arith.index_cast %swap3A_366 : i32 to index
      %swap3A_368 = arith.index_cast %mul3A_365 : i32 to index
      %swap3A_369 = tpu.vector_load %arg7[%swap3A_367, %swap3A_368] {strides = array<i32>} : memref<8x4096xf32, #tpu.memory_space<vmem>>, vector<1x16xf32>,
      %swap3A_370 = vector.shape_cast %swap3A_369 : vector<1x16xf32> to vector<16xf32>
      %swap3A_371 = vector.shape_cast %mul3A_363 : vector<16xf32> to vector<1x16xf32>
      tpu.vector_store %arg7[%swap3A_367, %swap3A_368], %swap3A_371 {strides = array<i32>} : memref<8x4096xf32, #tpu.memory_space<vmem>>, vector<1x16xf32>,
      %mul3A_372 = arith.constant 16 : i32
      %mul3A_373 = arith.muli %scan3A_272, %mul3A_372 : i32
      %get3A_374 = arith.constant 6 : i32
      %get3A_375 = arith.index_cast %get3A_374 : i32 to index
      %get3A_376 = arith.index_cast %mul3A_373 : i32 to index
      %get3A_377 = tpu.vector_load %arg7[%get3A_375, %get3A_376] {strides = array<i32>} : memref<8x4096xf32, #tpu.memory_space<vmem>>, vector<1x16xf32>,
      %get3A_378 = vector.shape_cast %get3A_377 : vector<1x16xf32> to vector<16xf32>
      %mul3A_379 = arith.mulf %get3A_378, %get3A_276 : vector<16xf32>
      %mul3A_380 = arith.constant 16 : i32
      %mul3A_381 = arith.muli %scan3A_272, %mul3A_380 : i32
      %swap3A_382 = arith.constant 6 : i32
      %swap3A_383 = arith.index_cast %swap3A_382 : i32 to index
      %swap3A_384 = arith.index_cast %mul3A_381 : i32 to index
      %swap3A_385 = tpu.vector_load %arg7[%swap3A_383, %swap3A_384] {strides = array<i32>} : memref<8x4096xf32, #tpu.memory_space<vmem>>, vector<1x16xf32>,
      %swap3A_386 = vector.shape_cast %swap3A_385 : vector<1x16xf32> to vector<16xf32>
      %swap3A_387 = vector.shape_cast %mul3A_379 : vector<16xf32> to vector<1x16xf32>
      tpu.vector_store %arg7[%swap3A_383, %swap3A_384], %swap3A_387 {strides = array<i32>} : memref<8x4096xf32, #tpu.memory_space<vmem>>, vector<1x16xf32>,
      %mul3A_388 = arith.constant 16 : i32
      %mul3A_389 = arith.muli %scan3A_272, %mul3A_388 : i32
      %get3A_390 = arith.constant 7 : i32
      %get3A_391 = arith.index_cast %get3A_390 : i32 to index
      %get3A_392 = arith.index_cast %mul3A_389 : i32 to index
      %get3A_393 = tpu.vector_load %arg7[%get3A_391, %get3A_392] {strides = array<i32>} : memref<8x4096xf32, #tpu.memory_space<vmem>>, vector<1x16xf32>,
      %get3A_394 = vector.shape_cast %get3A_393 : vector<1x16xf32> to vector<16xf32>
      %mul3A_395 = arith.mulf %get3A_394, %get3A_276 : vector<16xf32>
      %mul3A_396 = arith.constant 16 : i32
      %mul3A_397 = arith.muli %scan3A_272, %mul3A_396 : i32
      %swap3A_398 = arith.constant 7 : i32
      %swap3A_399 = arith.index_cast %swap3A_398 : i32 to index
      %swap3A_400 = arith.index_cast %mul3A_397 : i32 to index
      %swap3A_401 = tpu.vector_load %arg7[%swap3A_399, %swap3A_400] {strides = array<i32>} : memref<8x4096xf32, #tpu.memory_space<vmem>>, vector<1x16xf32>,
      %swap3A_402 = vector.shape_cast %swap3A_401 : vector<1x16xf32> to vector<16xf32>
      %swap3A_403 = vector.shape_cast %mul3A_395 : vector<16xf32> to vector<1x16xf32>
      tpu.vector_store %arg7[%swap3A_399, %swap3A_400], %swap3A_403 {strides = array<i32>} : memref<8x4096xf32, #tpu.memory_space<vmem>>, vector<1x16xf32>,
    }
    %scan3A_159 = arith.constant 256 : i32
    %add3A_160 = arith.constant 32 : i32
    %add3A_161 = arith.addi %mul3A_2, %add3A_160 : i32
    %dma_start3A_162 = arith.constant 0 : i32
    %dma_start3A_163 = tpu.memref_slice %arg4[%add3A_161, %dma_start3A_162] : memref<2048x4096xf32, #tpu.memory_space<hbm>> -> memref<8x4096xf32, #tpu.memory_space<hbm>>
    %dma_start3A_164 = arith.constant 0 : i32
    %dma_start3A_165 = tpu.memref_slice %arg4[%add3A_161, %dma_start3A_164] : memref<2048x4096xf32, #tpu.memory_space<hbm>> -> memref<8x4096xf32, #tpu.memory_space<hbm>>
    tpu.enqueue_dma source(%arg7 : memref<8x4096xf32, #tpu.memory_space<vmem>>) target(%dma_start3A_165 : memref<8x4096xf32, #tpu.memory_space<hbm>>) target_semaphore(%arg13 : memref<!tpu.dma_semaphore, #tpu.memory_space<semaphore_mem>>)
    %add3A_166 = arith.constant 24 : i32
    %add3A_167 = arith.addi %mul3A_2, %add3A_166 : i32
    %dma_wait3A_168 = arith.constant 0 : i32
    %dma_wait3A_169 = tpu.memref_slice %arg4[%add3A_167, %dma_wait3A_168] : memref<2048x4096xf32, #tpu.memory_space<hbm>> -> memref<8x4096xf32, #tpu.memory_space<hbm>>
    %dma_wait3A_170 = arith.constant 0 : i32
    %dma_wait3A_171 = tpu.memref_slice %arg4[%add3A_167, %dma_wait3A_170] : memref<2048x4096xf32, #tpu.memory_space<hbm>> -> memref<8x4096xf32, #tpu.memory_space<hbm>>
    tpu.wait_dma2 semaphore(%arg12 : memref<!tpu.dma_semaphore, #tpu.memory_space<semaphore_mem>>) src(%arg6 : memref<8x4096xf32, #tpu.memory_space<vmem>>) dst(%dma_wait3A_171 : memref<8x4096xf32, #tpu.memory_space<hbm>>)
    %add3A_172 = arith.constant 6144 : i32
    %add3A_173 = arith.addi %add3A_172, %mul3A_2 : i32
    %add3A_174 = arith.constant 48 : i32
    %add3A_175 = arith.addi %add3A_173, %add3A_174 : i32
    %dma_start3A_176 = arith.constant 0 : i32
    %dma_start3A_177 = tpu.memref_slice %arg2[%add3A_175, %dma_start3A_176] : memref<8192x4096xf32, #tpu.memory_space<hbm>> -> memref<8x4096xf32, #tpu.memory_space<hbm>>
    %dma_start3A_178 = arith.constant 0 : i32
    %dma_start3A_179 = tpu.memref_slice %arg2[%add3A_175, %dma_start3A_178] : memref<8192x4096xf32, #tpu.memory_space<hbm>> -> memref<8x4096xf32, #tpu.memory_space<hbm>>
    tpu.enqueue_dma source(%dma_start3A_179 : memref<8x4096xf32, #tpu.memory_space<hbm>>) target(%arg6 : memref<8x4096xf32, #tpu.memory_space<vmem>>) target_semaphore(%arg9 : memref<!tpu.dma_semaphore, #tpu.memory_space<semaphore_mem>>)
    %add3A_180 = arith.constant 6144 : i32
    %add3A_181 = arith.addi %add3A_180, %mul3A_2 : i32
    %add3A_182 = arith.constant 40 : i32
    %add3A_183 = arith.addi %add3A_181, %add3A_182 : i32
    %dma_wait3A_184 = arith.constant 0 : i32
    %dma_wait3A_185 = tpu.memref_slice %arg2[%add3A_183, %dma_wait3A_184] : memref<8192x4096xf32, #tpu.memory_space<hbm>> -> memref<8x4096xf32, #tpu.memory_space<hbm>>
    %dma_wait3A_186 = arith.constant 0 : i32
    %dma_wait3A_187 = tpu.memref_slice %arg2[%add3A_183, %dma_wait3A_186] : memref<8192x4096xf32, #tpu.memory_space<hbm>> -> memref<8x4096xf32, #tpu.memory_space<hbm>>
    tpu.wait_dma2 semaphore(%arg11 : memref<!tpu.dma_semaphore, #tpu.memory_space<semaphore_mem>>) src(%dma_wait3A_187 : memref<8x4096xf32, #tpu.memory_space<hbm>>) dst(%arg8 : memref<8x4096xf32, #tpu.memory_space<vmem>>)
    %scan3A_188 = arith.constant 0 : i32
    %scan3A_189 = arith.constant 0 : i32
    %scan3A_190 = arith.constant 256 : i32
    %scan3A_191 = arith.addi %scan3A_189, %scan3A_190 : i32
    %scan3A_192 = arith.constant 1 : i32
    scf.for %scan3A_272 = %scan3A_189 to %scan3A_191 step %scan3A_192  : i32 {
      %mul3A_273 = arith.constant 16 : i32
      %mul3A_274 = arith.muli %scan3A_272, %mul3A_273 : i32
      %get3A = arith.index_cast %mul3A_274 : i32 to index
      %get3A_275 = tpu.vector_load %arg5[%get3A] {strides = array<i32>} : memref<4096xf32, #tpu.memory_space<vmem>>, vector<16xf32>,
      %get3A_276 = vector.shape_cast %get3A_275 : vector<16xf32> to vector<16xf32>
      %mul3A_277 = arith.constant 16 : i32
      %mul3A_278 = arith.muli %scan3A_272, %mul3A_277 : i32
      %get3A_279 = arith.constant 0 : i32
      %get3A_280 = arith.index_cast %get3A_279 : i32 to index
      %get3A_281 = arith.index_cast %mul3A_278 : i32 to index
      %get3A_282 = tpu.vector_load %arg8[%get3A_280, %get3A_281] {strides = array<i32>} : memref<8x4096xf32, #tpu.memory_space<vmem>>, vector<1x16xf32>,
      %get3A_283 = vector.shape_cast %get3A_282 : vector<1x16xf32> to vector<16xf32>
      %mul3A_284 = arith.mulf %get3A_283, %get3A_276 : vector<16xf32>
      %mul3A_285 = arith.constant 16 : i32
      %mul3A_286 = arith.muli %scan3A_272, %mul3A_285 : i32
      %swap3A = arith.constant 0 : i32
      %swap3A_287 = arith.index_cast %swap3A : i32 to index
      %swap3A_288 = arith.index_cast %mul3A_286 : i32 to index
      %swap3A_289 = tpu.vector_load %arg8[%swap3A_287, %swap3A_288] {strides = array<i32>} : memref<8x4096xf32, #tpu.memory_space<vmem>>, vector<1x16xf32>,
      %swap3A_290 = vector.shape_cast %swap3A_289 : vector<1x16xf32> to vector<16xf32>
      %swap3A_291 = vector.shape_cast %mul3A_284 : vector<16xf32> to vector<1x16xf32>
      tpu.vector_store %arg8[%swap3A_287, %swap3A_288], %swap3A_291 {strides = array<i32>} : memref<8x4096xf32, #tpu.memory_space<vmem>>, vector<1x16xf32>,
      %mul3A_292 = arith.constant 16 : i32
      %mul3A_293 = arith.muli %scan3A_272, %mul3A_292 : i32
      %get3A_294 = arith.constant 1 : i32
      %get3A_295 = arith.index_cast %get3A_294 : i32 to index
      %get3A_296 = arith.index_cast %mul3A_293 : i32 to index
      %get3A_297 = tpu.vector_load %arg8[%get3A_295, %get3A_296] {strides = array<i32>} : memref<8x4096xf32, #tpu.memory_space<vmem>>, vector<1x16xf32>,
      %get3A_298 = vector.shape_cast %get3A_297 : vector<1x16xf32> to vector<16xf32>
      %mul3A_299 = arith.mulf %get3A_298, %get3A_276 : vector<16xf32>
      %mul3A_300 = arith.constant 16 : i32
      %mul3A_301 = arith.muli %scan3A_272, %mul3A_300 : i32
      %swap3A_302 = arith.constant 1 : i32
      %swap3A_303 = arith.index_cast %swap3A_302 : i32 to index
      %swap3A_304 = arith.index_cast %mul3A_301 : i32 to index
      %swap3A_305 = tpu.vector_load %arg8[%swap3A_303, %swap3A_304] {strides = array<i32>} : memref<8x4096xf32, #tpu.memory_space<vmem>>, vector<1x16xf32>,
      %swap3A_306 = vector.shape_cast %swap3A_305 : vector<1x16xf32> to vector<16xf32>
      %swap3A_307 = vector.shape_cast %mul3A_299 : vector<16xf32> to vector<1x16xf32>
      tpu.vector_store %arg8[%swap3A_303, %swap3A_304], %swap3A_307 {strides = array<i32>} : memref<8x4096xf32, #tpu.memory_space<vmem>>, vector<1x16xf32>,
      %mul3A_308 = arith.constant 16 : i32
      %mul3A_309 = arith.muli %scan3A_272, %mul3A_308 : i32
      %get3A_310 = arith.constant 2 : i32
      %get3A_311 = arith.index_cast %get3A_310 : i32 to index
      %get3A_312 = arith.index_cast %mul3A_309 : i32 to index
      %get3A_313 = tpu.vector_load %arg8[%get3A_311, %get3A_312] {strides = array<i32>} : memref<8x4096xf32, #tpu.memory_space<vmem>>, vector<1x16xf32>,
      %get3A_314 = vector.shape_cast %get3A_313 : vector<1x16xf32> to vector<16xf32>
      %mul3A_315 = arith.mulf %get3A_314, %get3A_276 : vector<16xf32>
      %mul3A_316 = arith.constant 16 : i32
      %mul3A_317 = arith.muli %scan3A_272, %mul3A_316 : i32
      %swap3A_318 = arith.constant 2 : i32
      %swap3A_319 = arith.index_cast %swap3A_318 : i32 to index
      %swap3A_320 = arith.index_cast %mul3A_317 : i32 to index
      %swap3A_321 = tpu.vector_load %arg8[%swap3A_319, %swap3A_320] {strides = array<i32>} : memref<8x4096xf32, #tpu.memory_space<vmem>>, vector<1x16xf32>,
      %swap3A_322 = vector.shape_cast %swap3A_321 : vector<1x16xf32> to vector<16xf32>
      %swap3A_323 = vector.shape_cast %mul3A_315 : vector<16xf32> to vector<1x16xf32>
      tpu.vector_store %arg8[%swap3A_319, %swap3A_320], %swap3A_323 {strides = array<i32>} : memref<8x4096xf32, #tpu.memory_space<vmem>>, vector<1x16xf32>,
      %mul3A_324 = arith.constant 16 : i32
      %mul3A_325 = arith.muli %scan3A_272, %mul3A_324 : i32
      %get3A_326 = arith.constant 3 : i32
      %get3A_327 = arith.index_cast %get3A_326 : i32 to index
      %get3A_328 = arith.index_cast %mul3A_325 : i32 to index
      %get3A_329 = tpu.vector_load %arg8[%get3A_327, %get3A_328] {strides = array<i32>} : memref<8x4096xf32, #tpu.memory_space<vmem>>, vector<1x16xf32>,
      %get3A_330 = vector.shape_cast %get3A_329 : vector<1x16xf32> to vector<16xf32>
      %mul3A_331 = arith.mulf %get3A_330, %get3A_276 : vector<16xf32>
      %mul3A_332 = arith.constant 16 : i32
      %mul3A_333 = arith.muli %scan3A_272, %mul3A_332 : i32
      %swap3A_334 = arith.constant 3 : i32
      %swap3A_335 = arith.index_cast %swap3A_334 : i32 to index
      %swap3A_336 = arith.index_cast %mul3A_333 : i32 to index
      %swap3A_337 = tpu.vector_load %arg8[%swap3A_335, %swap3A_336] {strides = array<i32>} : memref<8x4096xf32, #tpu.memory_space<vmem>>, vector<1x16xf32>,
      %swap3A_338 = vector.shape_cast %swap3A_337 : vector<1x16xf32> to vector<16xf32>
      %swap3A_339 = vector.shape_cast %mul3A_331 : vector<16xf32> to vector<1x16xf32>
      tpu.vector_store %arg8[%swap3A_335, %swap3A_336], %swap3A_339 {strides = array<i32>} : memref<8x4096xf32, #tpu.memory_space<vmem>>, vector<1x16xf32>,
      %mul3A_340 = arith.constant 16 : i32
      %mul3A_341 = arith.muli %scan3A_272, %mul3A_340 : i32
      %get3A_342 = arith.constant 4 : i32
      %get3A_343 = arith.index_cast %get3A_342 : i32 to index
      %get3A_344 = arith.index_cast %mul3A_341 : i32 to index
      %get3A_345 = tpu.vector_load %arg8[%get3A_343, %get3A_344] {strides = array<i32>} : memref<8x4096xf32, #tpu.memory_space<vmem>>, vector<1x16xf32>,
      %get3A_346 = vector.shape_cast %get3A_345 : vector<1x16xf32> to vector<16xf32>
      %mul3A_347 = arith.mulf %get3A_346, %get3A_276 : vector<16xf32>
      %mul3A_348 = arith.constant 16 : i32
      %mul3A_349 = arith.muli %scan3A_272, %mul3A_348 : i32
      %swap3A_350 = arith.constant 4 : i32
      %swap3A_351 = arith.index_cast %swap3A_350 : i32 to index
      %swap3A_352 = arith.index_cast %mul3A_349 : i32 to index
      %swap3A_353 = tpu.vector_load %arg8[%swap3A_351, %swap3A_352] {strides = array<i32>} : memref<8x4096xf32, #tpu.memory_space<vmem>>, vector<1x16xf32>,
      %swap3A_354 = vector.shape_cast %swap3A_353 : vector<1x16xf32> to vector<16xf32>
      %swap3A_355 = vector.shape_cast %mul3A_347 : vector<16xf32> to vector<1x16xf32>
      tpu.vector_store %arg8[%swap3A_351, %swap3A_352], %swap3A_355 {strides = array<i32>} : memref<8x4096xf32, #tpu.memory_space<vmem>>, vector<1x16xf32>,
      %mul3A_356 = arith.constant 16 : i32
      %mul3A_357 = arith.muli %scan3A_272, %mul3A_356 : i32
      %get3A_358 = arith.constant 5 : i32
      %get3A_359 = arith.index_cast %get3A_358 : i32 to index
      %get3A_360 = arith.index_cast %mul3A_357 : i32 to index
      %get3A_361 = tpu.vector_load %arg8[%get3A_359, %get3A_360] {strides = array<i32>} : memref<8x4096xf32, #tpu.memory_space<vmem>>, vector<1x16xf32>,
      %get3A_362 = vector.shape_cast %get3A_361 : vector<1x16xf32> to vector<16xf32>
      %mul3A_363 = arith.mulf %get3A_362, %get3A_276 : vector<16xf32>
      %mul3A_364 = arith.constant 16 : i32
      %mul3A_365 = arith.muli %scan3A_272, %mul3A_364 : i32
      %swap3A_366 = arith.constant 5 : i32
      %swap3A_367 = arith.index_cast %swap3A_366 : i32 to index
      %swap3A_368 = arith.index_cast %mul3A_365 : i32 to index
      %swap3A_369 = tpu.vector_load %arg8[%swap3A_367, %swap3A_368] {strides = array<i32>} : memref<8x4096xf32, #tpu.memory_space<vmem>>, vector<1x16xf32>,
      %swap3A_370 = vector.shape_cast %swap3A_369 : vector<1x16xf32> to vector<16xf32>
      %swap3A_371 = vector.shape_cast %mul3A_363 : vector<16xf32> to vector<1x16xf32>
      tpu.vector_store %arg8[%swap3A_367, %swap3A_368], %swap3A_371 {strides = array<i32>} : memref<8x4096xf32, #tpu.memory_space<vmem>>, vector<1x16xf32>,
      %mul3A_372 = arith.constant 16 : i32
      %mul3A_373 = arith.muli %scan3A_272, %mul3A_372 : i32
      %get3A_374 = arith.constant 6 : i32
      %get3A_375 = arith.index_cast %get3A_374 : i32 to index
      %get3A_376 = arith.index_cast %mul3A_373 : i32 to index
      %get3A_377 = tpu.vector_load %arg8[%get3A_375, %get3A_376] {strides = array<i32>} : memref<8x4096xf32, #tpu.memory_space<vmem>>, vector<1x16xf32>,
      %get3A_378 = vector.shape_cast %get3A_377 : vector<1x16xf32> to vector<16xf32>
      %mul3A_379 = arith.mulf %get3A_378, %get3A_276 : vector<16xf32>
      %mul3A_380 = arith.constant 16 : i32
      %mul3A_381 = arith.muli %scan3A_272, %mul3A_380 : i32
      %swap3A_382 = arith.constant 6 : i32
      %swap3A_383 = arith.index_cast %swap3A_382 : i32 to index
      %swap3A_384 = arith.index_cast %mul3A_381 : i32 to index
      %swap3A_385 = tpu.vector_load %arg8[%swap3A_383, %swap3A_384] {strides = array<i32>} : memref<8x4096xf32, #tpu.memory_space<vmem>>, vector<1x16xf32>,
      %swap3A_386 = vector.shape_cast %swap3A_385 : vector<1x16xf32> to vector<16xf32>
      %swap3A_387 = vector.shape_cast %mul3A_379 : vector<16xf32> to vector<1x16xf32>
      tpu.vector_store %arg8[%swap3A_383, %swap3A_384], %swap3A_387 {strides = array<i32>} : memref<8x4096xf32, #tpu.memory_space<vmem>>, vector<1x16xf32>,
      %mul3A_388 = arith.constant 16 : i32
      %mul3A_389 = arith.muli %scan3A_272, %mul3A_388 : i32
      %get3A_390 = arith.constant 7 : i32
      %get3A_391 = arith.index_cast %get3A_390 : i32 to index
      %get3A_392 = arith.index_cast %mul3A_389 : i32 to index
      %get3A_393 = tpu.vector_load %arg8[%get3A_391, %get3A_392] {strides = array<i32>} : memref<8x4096xf32, #tpu.memory_space<vmem>>, vector<1x16xf32>,
      %get3A_394 = vector.shape_cast %get3A_393 : vector<1x16xf32> to vector<16xf32>
      %mul3A_395 = arith.mulf %get3A_394, %get3A_276 : vector<16xf32>
      %mul3A_396 = arith.constant 16 : i32
      %mul3A_397 = arith.muli %scan3A_272, %mul3A_396 : i32
      %swap3A_398 = arith.constant 7 : i32
      %swap3A_399 = arith.index_cast %swap3A_398 : i32 to index
      %swap3A_400 = arith.index_cast %mul3A_397 : i32 to index
      %swap3A_401 = tpu.vector_load %arg8[%swap3A_399, %swap3A_400] {strides = array<i32>} : memref<8x4096xf32, #tpu.memory_space<vmem>>, vector<1x16xf32>,
      %swap3A_402 = vector.shape_cast %swap3A_401 : vector<1x16xf32> to vector<16xf32>
      %swap3A_403 = vector.shape_cast %mul3A_395 : vector<16xf32> to vector<1x16xf32>
      tpu.vector_store %arg8[%swap3A_399, %swap3A_400], %swap3A_403 {strides = array<i32>} : memref<8x4096xf32, #tpu.memory_space<vmem>>, vector<1x16xf32>,
    }
    %scan3A_193 = arith.constant 256 : i32
    %add3A_194 = arith.constant 40 : i32
    %add3A_195 = arith.addi %mul3A_2, %add3A_194 : i32
    %dma_start3A_196 = arith.constant 0 : i32
    %dma_start3A_197 = tpu.memref_slice %arg4[%add3A_195, %dma_start3A_196] : memref<2048x4096xf32, #tpu.memory_space<hbm>> -> memref<8x4096xf32, #tpu.memory_space<hbm>>
    %dma_start3A_198 = arith.constant 0 : i32
    %dma_start3A_199 = tpu.memref_slice %arg4[%add3A_195, %dma_start3A_198] : memref<2048x4096xf32, #tpu.memory_space<hbm>> -> memref<8x4096xf32, #tpu.memory_space<hbm>>
    tpu.enqueue_dma source(%arg8 : memref<8x4096xf32, #tpu.memory_space<vmem>>) target(%dma_start3A_199 : memref<8x4096xf32, #tpu.memory_space<hbm>>) target_semaphore(%arg14 : memref<!tpu.dma_semaphore, #tpu.memory_space<semaphore_mem>>)
    %add3A_200 = arith.constant 32 : i32
    %add3A_201 = arith.addi %mul3A_2, %add3A_200 : i32
    %dma_wait3A_202 = arith.constant 0 : i32
    %dma_wait3A_203 = tpu.memref_slice %arg4[%add3A_201, %dma_wait3A_202] : memref<2048x4096xf32, #tpu.memory_space<hbm>> -> memref<8x4096xf32, #tpu.memory_space<hbm>>
    %dma_wait3A_204 = arith.constant 0 : i32
    %dma_wait3A_205 = tpu.memref_slice %arg4[%add3A_201, %dma_wait3A_204] : memref<2048x4096xf32, #tpu.memory_space<hbm>> -> memref<8x4096xf32, #tpu.memory_space<hbm>>
    tpu.wait_dma2 semaphore(%arg13 : memref<!tpu.dma_semaphore, #tpu.memory_space<semaphore_mem>>) src(%arg7 : memref<8x4096xf32, #tpu.memory_space<vmem>>) dst(%dma_wait3A_205 : memref<8x4096xf32, #tpu.memory_space<hbm>>)
    %add3A_206 = arith.constant 6144 : i32
    %add3A_207 = arith.addi %add3A_206, %mul3A_2 : i32
    %add3A_208 = arith.constant 56 : i32
    %add3A_209 = arith.addi %add3A_207, %add3A_208 : i32
    %dma_start3A_210 = arith.constant 0 : i32
    %dma_start3A_211 = tpu.memref_slice %arg2[%add3A_209, %dma_start3A_210] : memref<8192x4096xf32, #tpu.memory_space<hbm>> -> memref<8x4096xf32, #tpu.memory_space<hbm>>
    %dma_start3A_212 = arith.constant 0 : i32
    %dma_start3A_213 = tpu.memref_slice %arg2[%add3A_209, %dma_start3A_212] : memref<8192x4096xf32, #tpu.memory_space<hbm>> -> memref<8x4096xf32, #tpu.memory_space<hbm>>
    tpu.enqueue_dma source(%dma_start3A_213 : memref<8x4096xf32, #tpu.memory_space<hbm>>) target(%arg7 : memref<8x4096xf32, #tpu.memory_space<vmem>>) target_semaphore(%arg10 : memref<!tpu.dma_semaphore, #tpu.memory_space<semaphore_mem>>)
    %add3A_214 = arith.constant 6144 : i32
    %add3A_215 = arith.addi %add3A_214, %mul3A_2 : i32
    %add3A_216 = arith.constant 48 : i32
    %add3A_217 = arith.addi %add3A_215, %add3A_216 : i32
    %dma_wait3A_218 = arith.constant 0 : i32
    %dma_wait3A_219 = tpu.memref_slice %arg2[%add3A_217, %dma_wait3A_218] : memref<8192x4096xf32, #tpu.memory_space<hbm>> -> memref<8x4096xf32, #tpu.memory_space<hbm>>
    %dma_wait3A_220 = arith.constant 0 : i32
    %dma_wait3A_221 = tpu.memref_slice %arg2[%add3A_217, %dma_wait3A_220] : memref<8192x4096xf32, #tpu.memory_space<hbm>> -> memref<8x4096xf32, #tpu.memory_space<hbm>>
    tpu.wait_dma2 semaphore(%arg9 : memref<!tpu.dma_semaphore, #tpu.memory_space<semaphore_mem>>) src(%dma_wait3A_221 : memref<8x4096xf32, #tpu.memory_space<hbm>>) dst(%arg6 : memref<8x4096xf32, #tpu.memory_space<vmem>>)
    %scan3A_222 = arith.constant 0 : i32
    %scan3A_223 = arith.constant 0 : i32
    %scan3A_224 = arith.constant 256 : i32
    %scan3A_225 = arith.addi %scan3A_223, %scan3A_224 : i32
    %scan3A_226 = arith.constant 1 : i32
    scf.for %scan3A_272 = %scan3A_223 to %scan3A_225 step %scan3A_226  : i32 {
      %mul3A_273 = arith.constant 16 : i32
      %mul3A_274 = arith.muli %scan3A_272, %mul3A_273 : i32
      %get3A = arith.index_cast %mul3A_274 : i32 to index
      %get3A_275 = tpu.vector_load %arg5[%get3A] {strides = array<i32>} : memref<4096xf32, #tpu.memory_space<vmem>>, vector<16xf32>,
      %get3A_276 = vector.shape_cast %get3A_275 : vector<16xf32> to vector<16xf32>
      %mul3A_277 = arith.constant 16 : i32
      %mul3A_278 = arith.muli %scan3A_272, %mul3A_277 : i32
      %get3A_279 = arith.constant 0 : i32
      %get3A_280 = arith.index_cast %get3A_279 : i32 to index
      %get3A_281 = arith.index_cast %mul3A_278 : i32 to index
      %get3A_282 = tpu.vector_load %arg6[%get3A_280, %get3A_281] {strides = array<i32>} : memref<8x4096xf32, #tpu.memory_space<vmem>>, vector<1x16xf32>,
      %get3A_283 = vector.shape_cast %get3A_282 : vector<1x16xf32> to vector<16xf32>
      %mul3A_284 = arith.mulf %get3A_283, %get3A_276 : vector<16xf32>
      %mul3A_285 = arith.constant 16 : i32
      %mul3A_286 = arith.muli %scan3A_272, %mul3A_285 : i32
      %swap3A = arith.constant 0 : i32
      %swap3A_287 = arith.index_cast %swap3A : i32 to index
      %swap3A_288 = arith.index_cast %mul3A_286 : i32 to index
      %swap3A_289 = tpu.vector_load %arg6[%swap3A_287, %swap3A_288] {strides = array<i32>} : memref<8x4096xf32, #tpu.memory_space<vmem>>, vector<1x16xf32>,
      %swap3A_290 = vector.shape_cast %swap3A_289 : vector<1x16xf32> to vector<16xf32>
      %swap3A_291 = vector.shape_cast %mul3A_284 : vector<16xf32> to vector<1x16xf32>
      tpu.vector_store %arg6[%swap3A_287, %swap3A_288], %swap3A_291 {strides = array<i32>} : memref<8x4096xf32, #tpu.memory_space<vmem>>, vector<1x16xf32>,
      %mul3A_292 = arith.constant 16 : i32
      %mul3A_293 = arith.muli %scan3A_272, %mul3A_292 : i32
      %get3A_294 = arith.constant 1 : i32
      %get3A_295 = arith.index_cast %get3A_294 : i32 to index
      %get3A_296 = arith.index_cast %mul3A_293 : i32 to index
      %get3A_297 = tpu.vector_load %arg6[%get3A_295, %get3A_296] {strides = array<i32>} : memref<8x4096xf32, #tpu.memory_space<vmem>>, vector<1x16xf32>,
      %get3A_298 = vector.shape_cast %get3A_297 : vector<1x16xf32> to vector<16xf32>
      %mul3A_299 = arith.mulf %get3A_298, %get3A_276 : vector<16xf32>
      %mul3A_300 = arith.constant 16 : i32
      %mul3A_301 = arith.muli %scan3A_272, %mul3A_300 : i32
      %swap3A_302 = arith.constant 1 : i32
      %swap3A_303 = arith.index_cast %swap3A_302 : i32 to index
      %swap3A_304 = arith.index_cast %mul3A_301 : i32 to index
      %swap3A_305 = tpu.vector_load %arg6[%swap3A_303, %swap3A_304] {strides = array<i32>} : memref<8x4096xf32, #tpu.memory_space<vmem>>, vector<1x16xf32>,
      %swap3A_306 = vector.shape_cast %swap3A_305 : vector<1x16xf32> to vector<16xf32>
      %swap3A_307 = vector.shape_cast %mul3A_299 : vector<16xf32> to vector<1x16xf32>
      tpu.vector_store %arg6[%swap3A_303, %swap3A_304], %swap3A_307 {strides = array<i32>} : memref<8x4096xf32, #tpu.memory_space<vmem>>, vector<1x16xf32>,
      %mul3A_308 = arith.constant 16 : i32
      %mul3A_309 = arith.muli %scan3A_272, %mul3A_308 : i32
      %get3A_310 = arith.constant 2 : i32
      %get3A_311 = arith.index_cast %get3A_310 : i32 to index
      %get3A_312 = arith.index_cast %mul3A_309 : i32 to index
      %get3A_313 = tpu.vector_load %arg6[%get3A_311, %get3A_312] {strides = array<i32>} : memref<8x4096xf32, #tpu.memory_space<vmem>>, vector<1x16xf32>,
      %get3A_314 = vector.shape_cast %get3A_313 : vector<1x16xf32> to vector<16xf32>
      %mul3A_315 = arith.mulf %get3A_314, %get3A_276 : vector<16xf32>
      %mul3A_316 = arith.constant 16 : i32
      %mul3A_317 = arith.muli %scan3A_272, %mul3A_316 : i32
      %swap3A_318 = arith.constant 2 : i32
      %swap3A_319 = arith.index_cast %swap3A_318 : i32 to index
      %swap3A_320 = arith.index_cast %mul3A_317 : i32 to index
      %swap3A_321 = tpu.vector_load %arg6[%swap3A_319, %swap3A_320] {strides = array<i32>} : memref<8x4096xf32, #tpu.memory_space<vmem>>, vector<1x16xf32>,
      %swap3A_322 = vector.shape_cast %swap3A_321 : vector<1x16xf32> to vector<16xf32>
      %swap3A_323 = vector.shape_cast %mul3A_315 : vector<16xf32> to vector<1x16xf32>
      tpu.vector_store %arg6[%swap3A_319, %swap3A_320], %swap3A_323 {strides = array<i32>} : memref<8x4096xf32, #tpu.memory_space<vmem>>, vector<1x16xf32>,
      %mul3A_324 = arith.constant 16 : i32
      %mul3A_325 = arith.muli %scan3A_272, %mul3A_324 : i32
      %get3A_326 = arith.constant 3 : i32
      %get3A_327 = arith.index_cast %get3A_326 : i32 to index
      %get3A_328 = arith.index_cast %mul3A_325 : i32 to index
      %get3A_329 = tpu.vector_load %arg6[%get3A_327, %get3A_328] {strides = array<i32>} : memref<8x4096xf32, #tpu.memory_space<vmem>>, vector<1x16xf32>,
      %get3A_330 = vector.shape_cast %get3A_329 : vector<1x16xf32> to vector<16xf32>
      %mul3A_331 = arith.mulf %get3A_330, %get3A_276 : vector<16xf32>
      %mul3A_332 = arith.constant 16 : i32
      %mul3A_333 = arith.muli %scan3A_272, %mul3A_332 : i32
      %swap3A_334 = arith.constant 3 : i32
      %swap3A_335 = arith.index_cast %swap3A_334 : i32 to index
      %swap3A_336 = arith.index_cast %mul3A_333 : i32 to index
      %swap3A_337 = tpu.vector_load %arg6[%swap3A_335, %swap3A_336] {strides = array<i32>} : memref<8x4096xf32, #tpu.memory_space<vmem>>, vector<1x16xf32>,
      %swap3A_338 = vector.shape_cast %swap3A_337 : vector<1x16xf32> to vector<16xf32>
      %swap3A_339 = vector.shape_cast %mul3A_331 : vector<16xf32> to vector<1x16xf32>
      tpu.vector_store %arg6[%swap3A_335, %swap3A_336], %swap3A_339 {strides = array<i32>} : memref<8x4096xf32, #tpu.memory_space<vmem>>, vector<1x16xf32>,
      %mul3A_340 = arith.constant 16 : i32
      %mul3A_341 = arith.muli %scan3A_272, %mul3A_340 : i32
      %get3A_342 = arith.constant 4 : i32
      %get3A_343 = arith.index_cast %get3A_342 : i32 to index
      %get3A_344 = arith.index_cast %mul3A_341 : i32 to index
      %get3A_345 = tpu.vector_load %arg6[%get3A_343, %get3A_344] {strides = array<i32>} : memref<8x4096xf32, #tpu.memory_space<vmem>>, vector<1x16xf32>,
      %get3A_346 = vector.shape_cast %get3A_345 : vector<1x16xf32> to vector<16xf32>
      %mul3A_347 = arith.mulf %get3A_346, %get3A_276 : vector<16xf32>
      %mul3A_348 = arith.constant 16 : i32
      %mul3A_349 = arith.muli %scan3A_272, %mul3A_348 : i32
      %swap3A_350 = arith.constant 4 : i32
      %swap3A_351 = arith.index_cast %swap3A_350 : i32 to index
      %swap3A_352 = arith.index_cast %mul3A_349 : i32 to index
      %swap3A_353 = tpu.vector_load %arg6[%swap3A_351, %swap3A_352] {strides = array<i32>} : memref<8x4096xf32, #tpu.memory_space<vmem>>, vector<1x16xf32>,
      %swap3A_354 = vector.shape_cast %swap3A_353 : vector<1x16xf32> to vector<16xf32>
      %swap3A_355 = vector.shape_cast %mul3A_347 : vector<16xf32> to vector<1x16xf32>
      tpu.vector_store %arg6[%swap3A_351, %swap3A_352], %swap3A_355 {strides = array<i32>} : memref<8x4096xf32, #tpu.memory_space<vmem>>, vector<1x16xf32>,
      %mul3A_356 = arith.constant 16 : i32
      %mul3A_357 = arith.muli %scan3A_272, %mul3A_356 : i32
      %get3A_358 = arith.constant 5 : i32
      %get3A_359 = arith.index_cast %get3A_358 : i32 to index
      %get3A_360 = arith.index_cast %mul3A_357 : i32 to index
      %get3A_361 = tpu.vector_load %arg6[%get3A_359, %get3A_360] {strides = array<i32>} : memref<8x4096xf32, #tpu.memory_space<vmem>>, vector<1x16xf32>,
      %get3A_362 = vector.shape_cast %get3A_361 : vector<1x16xf32> to vector<16xf32>
      %mul3A_363 = arith.mulf %get3A_362, %get3A_276 : vector<16xf32>
      %mul3A_364 = arith.constant 16 : i32
      %mul3A_365 = arith.muli %scan3A_272, %mul3A_364 : i32
      %swap3A_366 = arith.constant 5 : i32
      %swap3A_367 = arith.index_cast %swap3A_366 : i32 to index
      %swap3A_368 = arith.index_cast %mul3A_365 : i32 to index
      %swap3A_369 = tpu.vector_load %arg6[%swap3A_367, %swap3A_368] {strides = array<i32>} : memref<8x4096xf32, #tpu.memory_space<vmem>>, vector<1x16xf32>,
      %swap3A_370 = vector.shape_cast %swap3A_369 : vector<1x16xf32> to vector<16xf32>
      %swap3A_371 = vector.shape_cast %mul3A_363 : vector<16xf32> to vector<1x16xf32>
      tpu.vector_store %arg6[%swap3A_367, %swap3A_368], %swap3A_371 {strides = array<i32>} : memref<8x4096xf32, #tpu.memory_space<vmem>>, vector<1x16xf32>,
      %mul3A_372 = arith.constant 16 : i32
      %mul3A_373 = arith.muli %scan3A_272, %mul3A_372 : i32
      %get3A_374 = arith.constant 6 : i32
      %get3A_375 = arith.index_cast %get3A_374 : i32 to index
      %get3A_376 = arith.index_cast %mul3A_373 : i32 to index
      %get3A_377 = tpu.vector_load %arg6[%get3A_375, %get3A_376] {strides = array<i32>} : memref<8x4096xf32, #tpu.memory_space<vmem>>, vector<1x16xf32>,
      %get3A_378 = vector.shape_cast %get3A_377 : vector<1x16xf32> to vector<16xf32>
      %mul3A_379 = arith.mulf %get3A_378, %get3A_276 : vector<16xf32>
      %mul3A_380 = arith.constant 16 : i32
      %mul3A_381 = arith.muli %scan3A_272, %mul3A_380 : i32
      %swap3A_382 = arith.constant 6 : i32
      %swap3A_383 = arith.index_cast %swap3A_382 : i32 to index
      %swap3A_384 = arith.index_cast %mul3A_381 : i32 to index
      %swap3A_385 = tpu.vector_load %arg6[%swap3A_383, %swap3A_384] {strides = array<i32>} : memref<8x4096xf32, #tpu.memory_space<vmem>>, vector<1x16xf32>,
      %swap3A_386 = vector.shape_cast %swap3A_385 : vector<1x16xf32> to vector<16xf32>
      %swap3A_387 = vector.shape_cast %mul3A_379 : vector<16xf32> to vector<1x16xf32>
      tpu.vector_store %arg6[%swap3A_383, %swap3A_384], %swap3A_387 {strides = array<i32>} : memref<8x4096xf32, #tpu.memory_space<vmem>>, vector<1x16xf32>,
      %mul3A_388 = arith.constant 16 : i32
      %mul3A_389 = arith.muli %scan3A_272, %mul3A_388 : i32
      %get3A_390 = arith.constant 7 : i32
      %get3A_391 = arith.index_cast %get3A_390 : i32 to index
      %get3A_392 = arith.index_cast %mul3A_389 : i32 to index
      %get3A_393 = tpu.vector_load %arg6[%get3A_391, %get3A_392] {strides = array<i32>} : memref<8x4096xf32, #tpu.memory_space<vmem>>, vector<1x16xf32>,
      %get3A_394 = vector.shape_cast %get3A_393 : vector<1x16xf32> to vector<16xf32>
      %mul3A_395 = arith.mulf %get3A_394, %get3A_276 : vector<16xf32>
      %mul3A_396 = arith.constant 16 : i32
      %mul3A_397 = arith.muli %scan3A_272, %mul3A_396 : i32
      %swap3A_398 = arith.constant 7 : i32
      %swap3A_399 = arith.index_cast %swap3A_398 : i32 to index
      %swap3A_400 = arith.index_cast %mul3A_397 : i32 to index
      %swap3A_401 = tpu.vector_load %arg6[%swap3A_399, %swap3A_400] {strides = array<i32>} : memref<8x4096xf32, #tpu.memory_space<vmem>>, vector<1x16xf32>,
      %swap3A_402 = vector.shape_cast %swap3A_401 : vector<1x16xf32> to vector<16xf32>
      %swap3A_403 = vector.shape_cast %mul3A_395 : vector<16xf32> to vector<1x16xf32>
      tpu.vector_store %arg6[%swap3A_399, %swap3A_400], %swap3A_403 {strides = array<i32>} : memref<8x4096xf32, #tpu.memory_space<vmem>>, vector<1x16xf32>,
    }
    %scan3A_227 = arith.constant 256 : i32
    %add3A_228 = arith.constant 48 : i32
    %add3A_229 = arith.addi %mul3A_2, %add3A_228 : i32
    %dma_start3A_230 = arith.constant 0 : i32
    %dma_start3A_231 = tpu.memref_slice %arg4[%add3A_229, %dma_start3A_230] : memref<2048x4096xf32, #tpu.memory_space<hbm>> -> memref<8x4096xf32, #tpu.memory_space<hbm>>
    %dma_start3A_232 = arith.constant 0 : i32
    %dma_start3A_233 = tpu.memref_slice %arg4[%add3A_229, %dma_start3A_232] : memref<2048x4096xf32, #tpu.memory_space<hbm>> -> memref<8x4096xf32, #tpu.memory_space<hbm>>
    tpu.enqueue_dma source(%arg6 : memref<8x4096xf32, #tpu.memory_space<vmem>>) target(%dma_start3A_233 : memref<8x4096xf32, #tpu.memory_space<hbm>>) target_semaphore(%arg12 : memref<!tpu.dma_semaphore, #tpu.memory_space<semaphore_mem>>)
    %add3A_234 = arith.constant 6144 : i32
    %add3A_235 = arith.addi %add3A_234, %mul3A_2 : i32
    %add3A_236 = arith.constant 56 : i32
    %add3A_237 = arith.addi %add3A_235, %add3A_236 : i32
    %dma_wait3A_238 = arith.constant 0 : i32
    %dma_wait3A_239 = tpu.memref_slice %arg2[%add3A_237, %dma_wait3A_238] : memref<8192x4096xf32, #tpu.memory_space<hbm>> -> memref<8x4096xf32, #tpu.memory_space<hbm>>
    %dma_wait3A_240 = arith.constant 0 : i32
    %dma_wait3A_241 = tpu.memref_slice %arg2[%add3A_237, %dma_wait3A_240] : memref<8192x4096xf32, #tpu.memory_space<hbm>> -> memref<8x4096xf32, #tpu.memory_space<hbm>>
    tpu.wait_dma2 semaphore(%arg10 : memref<!tpu.dma_semaphore, #tpu.memory_space<semaphore_mem>>) src(%dma_wait3A_241 : memref<8x4096xf32, #tpu.memory_space<hbm>>) dst(%arg7 : memref<8x4096xf32, #tpu.memory_space<vmem>>)
    %scan3A_242 = arith.constant 0 : i32
    %scan3A_243 = arith.constant 0 : i32
    %scan3A_244 = arith.constant 256 : i32
    %scan3A_245 = arith.addi %scan3A_243, %scan3A_244 : i32
    %scan3A_246 = arith.constant 1 : i32
    scf.for %scan3A_272 = %scan3A_243 to %scan3A_245 step %scan3A_246  : i32 {
      %mul3A_273 = arith.constant 16 : i32
      %mul3A_274 = arith.muli %scan3A_272, %mul3A_273 : i32
      %get3A = arith.index_cast %mul3A_274 : i32 to index
      %get3A_275 = tpu.vector_load %arg5[%get3A] {strides = array<i32>} : memref<4096xf32, #tpu.memory_space<vmem>>, vector<16xf32>,
      %get3A_276 = vector.shape_cast %get3A_275 : vector<16xf32> to vector<16xf32>
      %mul3A_277 = arith.constant 16 : i32
      %mul3A_278 = arith.muli %scan3A_272, %mul3A_277 : i32
      %get3A_279 = arith.constant 0 : i32
      %get3A_280 = arith.index_cast %get3A_279 : i32 to index
      %get3A_281 = arith.index_cast %mul3A_278 : i32 to index
      %get3A_282 = tpu.vector_load %arg7[%get3A_280, %get3A_281] {strides = array<i32>} : memref<8x4096xf32, #tpu.memory_space<vmem>>, vector<1x16xf32>,
      %get3A_283 = vector.shape_cast %get3A_282 : vector<1x16xf32> to vector<16xf32>
      %mul3A_284 = arith.mulf %get3A_283, %get3A_276 : vector<16xf32>
      %mul3A_285 = arith.constant 16 : i32
      %mul3A_286 = arith.muli %scan3A_272, %mul3A_285 : i32
      %swap3A = arith.constant 0 : i32
      %swap3A_287 = arith.index_cast %swap3A : i32 to index
      %swap3A_288 = arith.index_cast %mul3A_286 : i32 to index
      %swap3A_289 = tpu.vector_load %arg7[%swap3A_287, %swap3A_288] {strides = array<i32>} : memref<8x4096xf32, #tpu.memory_space<vmem>>, vector<1x16xf32>,
      %swap3A_290 = vector.shape_cast %swap3A_289 : vector<1x16xf32> to vector<16xf32>
      %swap3A_291 = vector.shape_cast %mul3A_284 : vector<16xf32> to vector<1x16xf32>
      tpu.vector_store %arg7[%swap3A_287, %swap3A_288], %swap3A_291 {strides = array<i32>} : memref<8x4096xf32, #tpu.memory_space<vmem>>, vector<1x16xf32>,
      %mul3A_292 = arith.constant 16 : i32
      %mul3A_293 = arith.muli %scan3A_272, %mul3A_292 : i32
      %get3A_294 = arith.constant 1 : i32
      %get3A_295 = arith.index_cast %get3A_294 : i32 to index
      %get3A_296 = arith.index_cast %mul3A_293 : i32 to index
      %get3A_297 = tpu.vector_load %arg7[%get3A_295, %get3A_296] {strides = array<i32>} : memref<8x4096xf32, #tpu.memory_space<vmem>>, vector<1x16xf32>,
      %get3A_298 = vector.shape_cast %get3A_297 : vector<1x16xf32> to vector<16xf32>
      %mul3A_299 = arith.mulf %get3A_298, %get3A_276 : vector<16xf32>
      %mul3A_300 = arith.constant 16 : i32
      %mul3A_301 = arith.muli %scan3A_272, %mul3A_300 : i32
      %swap3A_302 = arith.constant 1 : i32
      %swap3A_303 = arith.index_cast %swap3A_302 : i32 to index
      %swap3A_304 = arith.index_cast %mul3A_301 : i32 to index
      %swap3A_305 = tpu.vector_load %arg7[%swap3A_303, %swap3A_304] {strides = array<i32>} : memref<8x4096xf32, #tpu.memory_space<vmem>>, vector<1x16xf32>,
      %swap3A_306 = vector.shape_cast %swap3A_305 : vector<1x16xf32> to vector<16xf32>
      %swap3A_307 = vector.shape_cast %mul3A_299 : vector<16xf32> to vector<1x16xf32>
      tpu.vector_store %arg7[%swap3A_303, %swap3A_304], %swap3A_307 {strides = array<i32>} : memref<8x4096xf32, #tpu.memory_space<vmem>>, vector<1x16xf32>,
      %mul3A_308 = arith.constant 16 : i32
      %mul3A_309 = arith.muli %scan3A_272, %mul3A_308 : i32
      %get3A_310 = arith.constant 2 : i32
      %get3A_311 = arith.index_cast %get3A_310 : i32 to index
      %get3A_312 = arith.index_cast %mul3A_309 : i32 to index
      %get3A_313 = tpu.vector_load %arg7[%get3A_311, %get3A_312] {strides = array<i32>} : memref<8x4096xf32, #tpu.memory_space<vmem>>, vector<1x16xf32>,
      %get3A_314 = vector.shape_cast %get3A_313 : vector<1x16xf32> to vector<16xf32>
      %mul3A_315 = arith.mulf %get3A_314, %get3A_276 : vector<16xf32>
      %mul3A_316 = arith.constant 16 : i32
      %mul3A_317 = arith.muli %scan3A_272, %mul3A_316 : i32
      %swap3A_318 = arith.constant 2 : i32
      %swap3A_319 = arith.index_cast %swap3A_318 : i32 to index
      %swap3A_320 = arith.index_cast %mul3A_317 : i32 to index
      %swap3A_321 = tpu.vector_load %arg7[%swap3A_319, %swap3A_320] {strides = array<i32>} : memref<8x4096xf32, #tpu.memory_space<vmem>>, vector<1x16xf32>,
      %swap3A_322 = vector.shape_cast %swap3A_321 : vector<1x16xf32> to vector<16xf32>
      %swap3A_323 = vector.shape_cast %mul3A_315 : vector<16xf32> to vector<1x16xf32>
      tpu.vector_store %arg7[%swap3A_319, %swap3A_320], %swap3A_323 {strides = array<i32>} : memref<8x4096xf32, #tpu.memory_space<vmem>>, vector<1x16xf32>,
      %mul3A_324 = arith.constant 16 : i32
      %mul3A_325 = arith.muli %scan3A_272, %mul3A_324 : i32
      %get3A_326 = arith.constant 3 : i32
      %get3A_327 = arith.index_cast %get3A_326 : i32 to index
      %get3A_328 = arith.index_cast %mul3A_325 : i32 to index
      %get3A_329 = tpu.vector_load %arg7[%get3A_327, %get3A_328] {strides = array<i32>} : memref<8x4096xf32, #tpu.memory_space<vmem>>, vector<1x16xf32>,
      %get3A_330 = vector.shape_cast %get3A_329 : vector<1x16xf32> to vector<16xf32>
      %mul3A_331 = arith.mulf %get3A_330, %get3A_276 : vector<16xf32>
      %mul3A_332 = arith.constant 16 : i32
      %mul3A_333 = arith.muli %scan3A_272, %mul3A_332 : i32
      %swap3A_334 = arith.constant 3 : i32
      %swap3A_335 = arith.index_cast %swap3A_334 : i32 to index
      %swap3A_336 = arith.index_cast %mul3A_333 : i32 to index
      %swap3A_337 = tpu.vector_load %arg7[%swap3A_335, %swap3A_336] {strides = array<i32>} : memref<8x4096xf32, #tpu.memory_space<vmem>>, vector<1x16xf32>,
      %swap3A_338 = vector.shape_cast %swap3A_337 : vector<1x16xf32> to vector<16xf32>
      %swap3A_339 = vector.shape_cast %mul3A_331 : vector<16xf32> to vector<1x16xf32>
      tpu.vector_store %arg7[%swap3A_335, %swap3A_336], %swap3A_339 {strides = array<i32>} : memref<8x4096xf32, #tpu.memory_space<vmem>>, vector<1x16xf32>,
      %mul3A_340 = arith.constant 16 : i32
      %mul3A_341 = arith.muli %scan3A_272, %mul3A_340 : i32
      %get3A_342 = arith.constant 4 : i32
      %get3A_343 = arith.index_cast %get3A_342 : i32 to index
      %get3A_344 = arith.index_cast %mul3A_341 : i32 to index
      %get3A_345 = tpu.vector_load %arg7[%get3A_343, %get3A_344] {strides = array<i32>} : memref<8x4096xf32, #tpu.memory_space<vmem>>, vector<1x16xf32>,
      %get3A_346 = vector.shape_cast %get3A_345 : vector<1x16xf32> to vector<16xf32>
      %mul3A_347 = arith.mulf %get3A_346, %get3A_276 : vector<16xf32>
      %mul3A_348 = arith.constant 16 : i32
      %mul3A_349 = arith.muli %scan3A_272, %mul3A_348 : i32
      %swap3A_350 = arith.constant 4 : i32
      %swap3A_351 = arith.index_cast %swap3A_350 : i32 to index
      %swap3A_352 = arith.index_cast %mul3A_349 : i32 to index
      %swap3A_353 = tpu.vector_load %arg7[%swap3A_351, %swap3A_352] {strides = array<i32>} : memref<8x4096xf32, #tpu.memory_space<vmem>>, vector<1x16xf32>,
      %swap3A_354 = vector.shape_cast %swap3A_353 : vector<1x16xf32> to vector<16xf32>
      %swap3A_355 = vector.shape_cast %mul3A_347 : vector<16xf32> to vector<1x16xf32>
      tpu.vector_store %arg7[%swap3A_351, %swap3A_352], %swap3A_355 {strides = array<i32>} : memref<8x4096xf32, #tpu.memory_space<vmem>>, vector<1x16xf32>,
      %mul3A_356 = arith.constant 16 : i32
      %mul3A_357 = arith.muli %scan3A_272, %mul3A_356 : i32
      %get3A_358 = arith.constant 5 : i32
      %get3A_359 = arith.index_cast %get3A_358 : i32 to index
      %get3A_360 = arith.index_cast %mul3A_357 : i32 to index
      %get3A_361 = tpu.vector_load %arg7[%get3A_359, %get3A_360] {strides = array<i32>} : memref<8x4096xf32, #tpu.memory_space<vmem>>, vector<1x16xf32>,
      %get3A_362 = vector.shape_cast %get3A_361 : vector<1x16xf32> to vector<16xf32>
      %mul3A_363 = arith.mulf %get3A_362, %get3A_276 : vector<16xf32>
      %mul3A_364 = arith.constant 16 : i32
      %mul3A_365 = arith.muli %scan3A_272, %mul3A_364 : i32
      %swap3A_366 = arith.constant 5 : i32
      %swap3A_367 = arith.index_cast %swap3A_366 : i32 to index
      %swap3A_368 = arith.index_cast %mul3A_365 : i32 to index
      %swap3A_369 = tpu.vector_load %arg7[%swap3A_367, %swap3A_368] {strides = array<i32>} : memref<8x4096xf32, #tpu.memory_space<vmem>>, vector<1x16xf32>,
      %swap3A_370 = vector.shape_cast %swap3A_369 : vector<1x16xf32> to vector<16xf32>
      %swap3A_371 = vector.shape_cast %mul3A_363 : vector<16xf32> to vector<1x16xf32>
      tpu.vector_store %arg7[%swap3A_367, %swap3A_368], %swap3A_371 {strides = array<i32>} : memref<8x4096xf32, #tpu.memory_space<vmem>>, vector<1x16xf32>,
      %mul3A_372 = arith.constant 16 : i32
      %mul3A_373 = arith.muli %scan3A_272, %mul3A_372 : i32
      %get3A_374 = arith.constant 6 : i32
      %get3A_375 = arith.index_cast %get3A_374 : i32 to index
      %get3A_376 = arith.index_cast %mul3A_373 : i32 to index
      %get3A_377 = tpu.vector_load %arg7[%get3A_375, %get3A_376] {strides = array<i32>} : memref<8x4096xf32, #tpu.memory_space<vmem>>, vector<1x16xf32>,
      %get3A_378 = vector.shape_cast %get3A_377 : vector<1x16xf32> to vector<16xf32>
      %mul3A_379 = arith.mulf %get3A_378, %get3A_276 : vector<16xf32>
      %mul3A_380 = arith.constant 16 : i32
      %mul3A_381 = arith.muli %scan3A_272, %mul3A_380 : i32
      %swap3A_382 = arith.constant 6 : i32
      %swap3A_383 = arith.index_cast %swap3A_382 : i32 to index
      %swap3A_384 = arith.index_cast %mul3A_381 : i32 to index
      %swap3A_385 = tpu.vector_load %arg7[%swap3A_383, %swap3A_384] {strides = array<i32>} : memref<8x4096xf32, #tpu.memory_space<vmem>>, vector<1x16xf32>,
      %swap3A_386 = vector.shape_cast %swap3A_385 : vector<1x16xf32> to vector<16xf32>
      %swap3A_387 = vector.shape_cast %mul3A_379 : vector<16xf32> to vector<1x16xf32>
      tpu.vector_store %arg7[%swap3A_383, %swap3A_384], %swap3A_387 {strides = array<i32>} : memref<8x4096xf32, #tpu.memory_space<vmem>>, vector<1x16xf32>,
      %mul3A_388 = arith.constant 16 : i32
      %mul3A_389 = arith.muli %scan3A_272, %mul3A_388 : i32
      %get3A_390 = arith.constant 7 : i32
      %get3A_391 = arith.index_cast %get3A_390 : i32 to index
      %get3A_392 = arith.index_cast %mul3A_389 : i32 to index
      %get3A_393 = tpu.vector_load %arg7[%get3A_391, %get3A_392] {strides = array<i32>} : memref<8x4096xf32, #tpu.memory_space<vmem>>, vector<1x16xf32>,
      %get3A_394 = vector.shape_cast %get3A_393 : vector<1x16xf32> to vector<16xf32>
      %mul3A_395 = arith.mulf %get3A_394, %get3A_276 : vector<16xf32>
      %mul3A_396 = arith.constant 16 : i32
      %mul3A_397 = arith.muli %scan3A_272, %mul3A_396 : i32
      %swap3A_398 = arith.constant 7 : i32
      %swap3A_399 = arith.index_cast %swap3A_398 : i32 to index
      %swap3A_400 = arith.index_cast %mul3A_397 : i32 to index
      %swap3A_401 = tpu.vector_load %arg7[%swap3A_399, %swap3A_400] {strides = array<i32>} : memref<8x4096xf32, #tpu.memory_space<vmem>>, vector<1x16xf32>,
      %swap3A_402 = vector.shape_cast %swap3A_401 : vector<1x16xf32> to vector<16xf32>
      %swap3A_403 = vector.shape_cast %mul3A_395 : vector<16xf32> to vector<1x16xf32>
      tpu.vector_store %arg7[%swap3A_399, %swap3A_400], %swap3A_403 {strides = array<i32>} : memref<8x4096xf32, #tpu.memory_space<vmem>>, vector<1x16xf32>,
    }
    %scan3A_247 = arith.constant 256 : i32
    %add3A_248 = arith.constant 56 : i32
    %add3A_249 = arith.addi %mul3A_2, %add3A_248 : i32
    %dma_start3A_250 = arith.constant 0 : i32
    %dma_start3A_251 = tpu.memref_slice %arg4[%add3A_249, %dma_start3A_250] : memref<2048x4096xf32, #tpu.memory_space<hbm>> -> memref<8x4096xf32, #tpu.memory_space<hbm>>
    %dma_start3A_252 = arith.constant 0 : i32
    %dma_start3A_253 = tpu.memref_slice %arg4[%add3A_249, %dma_start3A_252] : memref<2048x4096xf32, #tpu.memory_space<hbm>> -> memref<8x4096xf32, #tpu.memory_space<hbm>>
    tpu.enqueue_dma source(%arg7 : memref<8x4096xf32, #tpu.memory_space<vmem>>) target(%dma_start3A_253 : memref<8x4096xf32, #tpu.memory_space<hbm>>) target_semaphore(%arg13 : memref<!tpu.dma_semaphore, #tpu.memory_space<semaphore_mem>>)
    %add3A_254 = arith.constant 40 : i32
    %add3A_255 = arith.addi %mul3A_2, %add3A_254 : i32
    %dma_wait3A_256 = arith.constant 0 : i32
    %dma_wait3A_257 = tpu.memref_slice %arg4[%add3A_255, %dma_wait3A_256] : memref<2048x4096xf32, #tpu.memory_space<hbm>> -> memref<8x4096xf32, #tpu.memory_space<hbm>>
    %dma_wait3A_258 = arith.constant 0 : i32
    %dma_wait3A_259 = tpu.memref_slice %arg4[%add3A_255, %dma_wait3A_258] : memref<2048x4096xf32, #tpu.memory_space<hbm>> -> memref<8x4096xf32, #tpu.memory_space<hbm>>
    tpu.wait_dma2 semaphore(%arg14 : memref<!tpu.dma_semaphore, #tpu.memory_space<semaphore_mem>>) src(%arg8 : memref<8x4096xf32, #tpu.memory_space<vmem>>) dst(%dma_wait3A_259 : memref<8x4096xf32, #tpu.memory_space<hbm>>)
    %add3A_260 = arith.constant 48 : i32
    %add3A_261 = arith.addi %mul3A_2, %add3A_260 : i32
    %dma_wait3A_262 = arith.constant 0 : i32
    %dma_wait3A_263 = tpu.memref_slice %arg4[%add3A_261, %dma_wait3A_262] : memref<2048x4096xf32, #tpu.memory_space<hbm>> -> memref<8x4096xf32, #tpu.memory_space<hbm>>
    %dma_wait3A_264 = arith.constant 0 : i32
    %dma_wait3A_265 = tpu.memref_slice %arg4[%add3A_261, %dma_wait3A_264] : memref<2048x4096xf32, #tpu.memory_space<hbm>> -> memref<8x4096xf32, #tpu.memory_space<hbm>>
    tpu.wait_dma2 semaphore(%arg12 : memref<!tpu.dma_semaphore, #tpu.memory_space<semaphore_mem>>) src(%arg6 : memref<8x4096xf32, #tpu.memory_space<vmem>>) dst(%dma_wait3A_265 : memref<8x4096xf32, #tpu.memory_space<hbm>>)
    %add3A_266 = arith.constant 56 : i32
    %add3A_267 = arith.addi %mul3A_2, %add3A_266 : i32
    %dma_wait3A_268 = arith.constant 0 : i32
    %dma_wait3A_269 = tpu.memref_slice %arg4[%add3A_267, %dma_wait3A_268] : memref<2048x4096xf32, #tpu.memory_space<hbm>> -> memref<8x4096xf32, #tpu.memory_space<hbm>>
    %dma_wait3A_270 = arith.constant 0 : i32
    %dma_wait3A_271 = tpu.memref_slice %arg4[%add3A_267, %dma_wait3A_270] : memref<2048x4096xf32, #tpu.memory_space<hbm>> -> memref<8x4096xf32, #tpu.memory_space<hbm>>
    tpu.wait_dma2 semaphore(%arg13 : memref<!tpu.dma_semaphore, #tpu.memory_space<semaphore_mem>>) src(%arg7 : memref<8x4096xf32, #tpu.memory_space<vmem>>) dst(%dma_wait3A_271 : memref<8x4096xf32, #tpu.memory_space<hbm>>)
    return
  }
}

module attributes {stable_mosaic.version = 14 : i64} {
  func.func @_tc_body(%arg0: i32, %arg1: memref<512x4096xf32, #tpu.memory_space<vmem>>, %arg2: memref<1x4096xf32, #tpu.memory_space<vmem>>, %arg3: memref<512x4096xf32, #tpu.memory_space<vmem>>) attributes {dimension_semantics = [#tpu.dimension_semantics<arbitrary>], iteration_bounds = array<i64: 12>, scalar_prefetch = 0 : i64, scratch_operands = 0 : i64, tpu.core_type = #tpu.core_type<tc>, window_params = [{transform_indices = @transform_0, window_bounds = array<i64: 512, 4096>}, {pipeline_mode = #tpu.pipeline_mode<synchronous>, transform_indices = @transform_1, window_bounds = array<i64: 1, 4096>}, {transform_indices = @transform_2, window_bounds = array<i64: 512, 4096>}]} {
    %get3A = arith.constant 0 : index
    %get3A_0 = arith.constant 0 : index
    %get3A_1 = vector.load %arg1[%get3A, %get3A_0] : memref<512x4096xf32, #tpu.memory_space<vmem>>, vector<512x4096xf32>
    %get3A_2 = arith.constant 0 : index
    %get3A_3 = arith.constant 0 : index
    %get3A_4 = vector.load %arg2[%get3A_2, %get3A_3] : memref<1x4096xf32, #tpu.memory_space<vmem>>, vector<1x4096xf32>
    %mul3A = vector.broadcast %get3A_4 : vector<1x4096xf32> to vector<512x4096xf32>
    %mul3A_5 = arith.mulf %get3A_1, %mul3A : vector<512x4096xf32>
    %swap3A = arith.constant 0 : index
    %swap3A_6 = arith.constant 0 : index
    %swap3A_7 = vector.load %arg3[%swap3A, %swap3A_6] : memref<512x4096xf32, #tpu.memory_space<vmem>>, vector<512x4096xf32>
    tpu.vector_store %arg3[%swap3A, %swap3A_6], %mul3A_5 {strides = array<i32>} : memref<512x4096xf32, #tpu.memory_space<vmem>>, vector<512x4096xf32>,
    return
  }
  func.func @transform_0(%arg0: i32) -> (i32, i32) {
    %c0_i32 = arith.constant 0 : i32
    %c0_i32_0 = arith.constant 0 : i32
    return %arg0, %c0_i32 : i32, i32
  }
  func.func @transform_1(%arg0: i32) -> (i32, i32) {
    %c0_i32 = arith.constant 0 : i32
    %c0_i32_0 = arith.constant 0 : i32
    %c0_i32_1 = arith.constant 0 : i32
    return %c0_i32, %c0_i32_0 : i32, i32
  }
  func.func @transform_2(%arg0: i32) -> (i32, i32) {
    %c0_i32 = arith.constant 0 : i32
    %c0_i32_0 = arith.constant 0 : i32
    return %arg0, %c0_i32 : i32, i32
  }
}

</mosaic_0001>

<sc_bundles>
// kernel: kernel.4.cloned.1.call-start
scs
__scs_entry_jumppad:
0x0: {  	(pc) =	sbr.rel $0x88, $3  }
0x1: {  	(tag) =	ssettag $0x0;
	lr =	simm.s32 $0x1  }
0x2: {  	[smem:$0x3F9F] =	sst lr;
	_ =	strace $0xD0000000  }
0x3: {  	_ = 	snop  }
0x4: {  	_ = 	snop  }
0x5: {  	_ = 	snop  }
0x6: {  	_ = 	snop  }
0x7: {  	_ = 	snop  }
__scs_overlays_trampoline_lowered:
0x8: {  	[smem:$0x3FAE] =	sst s0  }
0x9: {  	[smem:$0x3FAF] =	sst s1  }
0xa: {  	[smem:$0x3FB0] =	sst s2  }
0xb: {  	[smem:$0x3FB1] =	sst s3  }
0xc: {  	[smem:$0x3FB2] =	sst s4  }
0xd: {  	[smem:$0x3FB3] =	sst s5  }
0xe: {  	[smem:$0x3FB4] =	sst s6  }
0xf: {  	[smem:$0x3FB5] =	sst s7  }
0x10: {  	[smem:$0x3FB6] =	sst s8  }
0x11: {  	[smem:$0x3FB7] =	sst s9;
	s0 =	simm.s32 @!p0 $0x0  }
0x12: {  	s1 =	sld [smem:$0x3F9D];
	s0 =	simm.s32 @p0 $0x1  }
0x13: {  	[smem:$0x3FB8] =	sst s0;
	s0 =	simm.s32 @!p1 $0x0  }
0x14: {  	s2 =	sld [smem:$0x3F9C];
	s0 =	simm.s32 @p1 $0x1  }
0x15: {  	[smem:$0x3FB9] =	sst s0;
	s0 =	simm.s32 @!p2 $0x0  }
0x16: {  	s3 =	sld [smem:$0x3FDB];
	s0 =	simm.s32 @p2 $0x1  }
0x17: {  	s4 =	simm.s32 $0x1BF5;
	[smem:$0x3FBB] =	sst s0  }
0x18: {  	s0 =	sld [smem:$0x3F9E];
	_ =	swait.ge [sflag:s4], $0x0  }
0x19: {  	s7 =	sld [smem:$0x3F9F]  }
0x1a: {  	s8 =	sadd.s32 $0xFFFFE003, lr  }
0x1b: {  	s9 =	sadd.s32 $0xFFFFFEF7, lr;
	s5 =	simm.s32 $0xFFFFFFFF;
	p2 =	slt.u32 s8, $0xFFFFF086  }
0x1c: {  	p1 =	slt.u32 s9, $0xF7A;
	s5 =	simm.s32 @!p2 $0x0  }
0x1d: {  	s5 =	simm.s32 @p1 $0x1;
	p0 =	seq.s32 s7, s2  }
0x1e: {  	s7 =	smul.u32 @!p0 $0xF7A, s2;
	p2 =	seq.s32 @!p0 s5, $0x0  }
0x1f: {  	s9 =	smul.u32 $0xF7A, s1;
	s8 =	simm.s32 @!p0 $0x1BF5;
	p2 =	por !p2, p0  }
0x20: {  	[sflag:s8] =	ssyncset.s32 @!p0 $0xFFFFF086;
	s6 =	sadd.s32 @!p0 s3, s7;
	s7 =	simm.s32 @!p0 $0x108  }
0x21: {  	s3 =	sadd.s32 s3, s9;
	s6 =	sadd.s32 @!p0 $0x88, s6;
	s7 =	simm.s32 @p2 $0x1082  }
0x22: {  	[simem:s7], [sflag:s8] =	dma.local @!p0 [hbm:s6], $0xF7A  }
0x23: {  	s9 =	sor.u32 $0xD0000000, s2;
	s6 =	simm.s32 $0x108;
	_ =	swait.ge @!p0 [sflag:s8], $0x0  }
0x24: {  	s3 =	sadd.s32 $0x88, s3;
	s6 =	simm.s32 @!p1 $0x1082;
	[sflag:s4] =	ssyncset.s32 $0xFFFFF086  }
0x25: {  	[simem:s6], [sflag:s4] =	dma.local [hbm:s3], $0xF7A  }
0x26: {  	[smem:$0x3F9F] =	sst s1;
	(tag) =	ssettag s2;
	_ =	strace s9  }
0x27: {  	s1 =	sld [smem:$0x3FAF]  }
0x28: {  	s2 =	sld [smem:$0x3FB0]  }
0x29: {  	s4 =	sld [smem:$0x3FB2]  }
0x2a: {  	p0 =	seq.s32 s5, $0x0;
	s5 =	sld [smem:$0x3FB3]  }
0x2b: {  	s6 =	sld [smem:$0x3FB4]  }
0x2c: {  	s7 =	sld [smem:$0x3FB5]  }
0x2d: {  	s3 =	simm.s32 $0x108;
	s8 =	sld [smem:$0x3FB6]  }
0x2e: {  	s3 =	simm.s32 @!p0 $0x1082;
	s9 =	sld [smem:$0x3FB7]  }
0x2f: {  	lr =	sadd.s32 s0, s3;
	s0 =	sld [smem:$0x3FAE]  }
0x30: {  	s3 =	sld [smem:$0x3FB1]  }
0x31: {  	[smem:$0x3FBA] =	sst s10  }
0x32: {  	s10 =	sld [smem:$0x3FB8];
	_ =	sdelay $0x3  }
0x33: {  	p0 =	seq.s32 s10, $0x1;
	s10 =	sld [smem:$0x3FBA];
	_ =	sdelay $0x3  }
0x34: {  	[smem:$0x3FBA] =	sst s10  }
0x35: {  	s10 =	sld [smem:$0x3FB9];
	_ =	sdelay $0x3  }
0x36: {  	p1 =	seq.s32 s10, $0x1;
	s10 =	sld [smem:$0x3FBA];
	_ =	sdelay $0x3  }
0x37: {  	[smem:$0x3FBA] =	sst s10  }
0x38: {  	s10 =	sld [smem:$0x3FBB]  }
0x39: {  	_ = 	snop;
	(pc) =	sbr.ind lr, $3  }
0x3a: {  	_ = 	snop  }
0x3b: {  	_ = 	snop  }
0x3c: {  	p2 =	seq.s32 s10, $0x1;
	s10 =	sld [smem:$0x3FBA]  }
0x3d: {  	_ =	shalt  }
0x3e: {  	_ =	shalt  }
0x3f: {  	_ =	shalt  }
0x40: {  	_ =	shalt  }
0x41: {  	_ =	shalt  }
0x42: {  	_ =	shalt  }
0x43: {  	_ =	shalt  }
0x44: {  	_ =	shalt  }
0x45: {  	_ =	shalt  }
0x46: {  	_ =	shalt  }
0x47: {  	_ =	shalt  }
0x48: {  	_ =	shalt  }
0x49: {  	_ =	shalt  }
0x4a: {  	_ =	shalt  }
0x4b: {  	_ =	shalt  }
0x4c: {  	_ =	shalt  }
0x4d: {  	_ =	shalt  }
0x4e: {  	_ =	shalt  }
0x4f: {  	_ =	shalt  }
0x50: {  	_ =	shalt  }
0x51: {  	_ =	shalt  }
0x52: {  	_ =	shalt  }
0x53: {  	_ =	shalt  }
0x54: {  	_ =	shalt  }
0x55: {  	_ =	shalt  }
0x56: {  	_ =	shalt  }
0x57: {  	_ =	shalt  }
0x58: {  	_ =	shalt  }
0x59: {  	_ =	shalt  }
0x5a: {  	_ =	shalt  }
0x5b: {  	_ =	shalt  }
0x5c: {  	_ =	shalt  }
0x5d: {  	_ =	shalt  }
0x5e: {  	_ =	shalt  }
0x5f: {  	_ =	shalt  }
0x60: {  	_ =	shalt  }
0x61: {  	_ =	shalt  }
0x62: {  	_ =	shalt  }
0x63: {  	_ =	shalt  }
0x64: {  	_ =	shalt  }
0x65: {  	_ =	shalt  }
0x66: {  	_ =	shalt  }
0x67: {  	_ =	shalt  }
0x68: {  	_ =	shalt  }
0x69: {  	_ =	shalt  }
0x6a: {  	_ =	shalt  }
0x6b: {  	_ =	shalt  }
0x6c: {  	_ =	shalt  }
0x6d: {  	_ =	shalt  }
0x6e: {  	_ =	shalt  }
0x6f: {  	_ =	shalt  }
0x70: {  	_ =	shalt  }
0x71: {  	_ =	shalt  }
0x72: {  	_ =	shalt  }
0x73: {  	_ =	shalt  }
0x74: {  	_ =	shalt  }
0x75: {  	_ =	shalt  }
0x76: {  	_ =	shalt  }
0x77: {  	_ =	shalt  }
0x78: {  	_ =	shalt  }
0x79: {  	_ =	shalt  }
0x7a: {  	_ =	shalt  }
0x7b: {  	_ =	shalt  }
0x7c: {  	_ =	shalt  }
0x7d: {  	_ =	shalt  }
0x7e: {  	_ =	shalt  }
0x7f: {  	_ =	shalt  }
0x80: {  	_ =	shalt  }
0x81: {  	_ =	shalt  }
0x82: {  	_ =	shalt  }
0x83: {  	_ =	shalt  }
0x84: {  	_ =	shalt  }
0x85: {  	_ =	shalt  }
0x86: {  	_ =	shalt  }
0x87: {  	_ =	shalt  }
.Lfunc_end0:
.L_simem_size_0:
called_computation_lowered:
.L_overlay_start_0:
0x88: {  	s2 =	sld [smem:$0x3FD9]  }
0x89: {  	s3 =	sld [smem:$0x3FFE];
	_ =	sdelay $0x1  }
0x8a: {  	s1 =	srdreg.scid  }
0x8b: {  	s0 =	sand.u32 $0x1, s1  }
0x8c: {  	s15 =	sshll.u32 s0, $0xA;
	s2 =	sadd.s32 s3, s2  }
0x8d: {  	s2 =	sadd.s32 s2, s15  }
0x8e: {  	[smem:$0x3FC6] =	sst s2  }
0x8f: {  	_ = 	snop  }
0x90: {  	s2 =	sld [smem:$0x3FD0];
	_ =	sdelay $0x1  }
0x91: {  	s16 =	sld [smem:$0x3FC9]  }
0x92: {  	s5 =	simm.s32 $0xA;
	s6 =	simm.s32 $0x10;
	s4 =	sld [smem:$0x3FC8]  }
0x93: {  	[smem:s6], [sflag:s5] =	dma.local [hbm:s2], $0x1  }
0x94: {  	_ =	swait.eq [sflag:s5], $0x1  }
0x95: {  	[sflag:s5] =	ssyncset.done $0x0  }
0x96: {  	[sflag:s5] =	ssyncadd.s32 $0xFFFFFFFF  }
0x97: {  	s17 =	sld [smem:$0x11];
	(tm) =	ssettm $0x1  }
0x98: {  	s18 =	sld [smem:$0x3FFB];
	_ =	sdelay $0x3  }
0x99: {  	_ =	strace s18  }
0x9a: {  	s5 =	sld [smem:$0x3FFC];
	_ =	sdelay $0x3  }
0x9b: {  	_ =	strace s5  }
0x9c: {  	s5 =	sld [smem:$0x3FFD];
	_ =	sdelay $0x3  }
0x9d: {  	_ =	strace s5  }
0x9e: {  	_ =	strace $0x8FFFFFFF  }
0x9f: {  	s19 =	sld [smem:$0x3FDB];
	_ =	sdelay $0x1  }
0xa0: {  	s20 =	simm.s32 $_scs_section_size  }
0xa1: {  	s7 =	simm.s32 $_size__tile_overlayer_lowered;
	s8 =	simm.s32 $_tile_overlayer_lowered  }
0xa2: {  	s23 =	simm.s32 $0x1BFF;
	s22 =	sshll.u32 s8, $0x1;
	s5 =	sadd.s32 s20, s19  }
0xa3: {  	s9 =	simm.s32 $0x0;
	s21 =	sshll.u32 s7, $0x1;
	s7 =	sadd.s32 s22, s5  }
0xa4: {  	[timem:s9], [sflag:s23] =	dma.local [hbm:s7], s21  }
0xa5: {  	_ =	swait.ge [sflag:s23], s21  }
0xa6: {  	s6 =	ssub.s32 $0x0, s21;
	[sflag:s23] =	ssyncset.done $0x0  }
0xa7: {  	[sflag:s23] =	ssyncadd.s32 s6;
	_ =	sdelay $0x1  }
0xa8: {  	s24 =	simm.s32 $0x1B8B  }
0xa9: {  	_ =	swait.ge [sflag:s24], $0x1  }
0xaa: {  	[sflag:s24] =	ssyncset.done $0x0  }
0xab: {  	s25 =	simm.s32 $0x1B8E;
	[sflag:s24] =	ssyncadd.s32 $0xFFFFFFFF  }
0xac: {  	s26 =	simm.s32 $execute0_lowered;
	[smem:$0x3FD2] =	sst s25  }
0xad: {  	s6 =	sshll.u32 s26, $0x1;
	_ =	strace $0x80000046;
	[dreg:$0x1] =	wrdreg $0xFFFFFFFF  }
0xae: {  	s28 =	simm.s32 $_size_execute0_lowered;
	s5 =	sadd.s32 s5, s6;
	[dreg:$0x0] =	wrdreg $0x0  }
0xaf: {  	s6 =	sshll.u32 s28, $0x1;
	[dreg:$0x2] =	wrdreg s5  }
0xb0: {  	[dreg:$0x3] =	wrdreg s6  }
0xb1: {  	[dreg:$0x4] =	wrdreg $0xC0  }
0xb2: {  	_ =	task [dreg:s9], $0x5FFFF  }
0xb3: {  	[dreg:$0x1] =	wrdreg $0xFFFFFFFF  }
0xb4: {  	[dreg:$0x0] =	wrdreg $0x60  }
0xb5: {  	[dreg:$0x2] =	wrdreg s16  }
0xb6: {  	[dreg:$0x3] =	wrdreg s4  }
0xb7: {  	[dreg:$0x4] =	wrdreg s17  }
0xb8: {  	[dreg:$0x5] =	wrdreg $0x9  }
0xb9: {  	_ =	task.clear_ibuf [dreg:s9], $0x6FFFF;
	_ =	strace $0x90000046  }
0xba: {  	s29 =	simm.s32 $0x9;
	_ =	strace $0x80000048  }
0xbb: {  	_ =	swait.ge [sflag:s29], $0x1  }
0xbc: {  	[sflag:s29] =	ssyncadd.s32 $0xFFFFFFFF  }
0xbd: {  	_ =	strace $0x90000048  }
0xbe: {  	_ =	sfence  }
0xbf: {  	s30 =	sld [smem:$0x0];
	_ =	sdelay $0x2  }
0xc0: {  	s31 =	sshll.u32 s1, $0xD;
	s1 =	sshrl.u32 s1, $0x2  }
0xc1: {  	s3 =	sand.u32 $0x4000, s31;
	s1 =	sadd.s32 s1, s30  }
0xc2: {  	s0 =	sor.u32 s3, s0;
	s1 =	sshll.u32 s1, $0x11  }
0xc3: {  	s0 =	sor.u32 s1, s0  }
0xc4: {  	s0 =	sadd.s32 $0x8F2B, s0  }
0xc5: {  	[sflag:s0] =	ssyncadd.remote.s32 $0x1  }
0xc6: {  	_ =	sfence.sel $0xFFFF  }
0xc7: {  	[dreg:$0x0] =	wrdreg $0xFFFFFFFF;
	(pc) =	sbr.abs _section_cstart, $3  }
0xc8: {  	[dreg:$0x1] =	wrdreg $0xFFFFFFFF  }
0xc9: {  	_ =	task.clear_ibuf [dreg:s9], $0x2FFFF;
	_ =	strace $0x9FFFFFFF  }
0xca: {  	(tm) =	ssettm $0x7FFFFFFF  }
0xcb: {  	_ =	shalt  }
tec
execute0_lowered:
.L_overlay_start_1:
0x0: {  	(tag) =	ssettag $0x1  }
0x1: {  	s0 =	rddreg [dreg:$0x0]  }
0x2: {  	s1 =	srdreg.scid;
	s2 =	rddreg [dreg:$0x2]  }
0x3: {  	s3 =	stileid.u32;
	s28 =	simm.s32 $0x4;
	s29 =	simm.s32 $0x3  }
0x4: {  	s30 =	simm.s32 $0x5;
	s31 =	simm.s32 $0x6;
	s1 =	sand.u32 $0x1, s1  }
0x5: {  	s4 =	sshll.u32 s3, $0x10;
	s3 =	simm.s32 $0x0;
	s5 =	sshll.u32 s1, $0xF  }
0x6: {  	s1 =	ssub.s32 $0x2, s1;
	[smem:$0x7FF] =	sst s3;
	s4 =	sor.u32 s5, s4  }
0x7: {  	s21 =	sshrl.u32 s1, $0x1;
	_ =	strace $0x80000047;
	s0 =	sadd.s32 s4, s0  }
0x8: {  	s1 =	ssub.s32 s1, s21;
	s6 =	sadd.s32 s2, s4;
	s21 =	simm.s32 $0x7  }
0x9: {  	s22 =	sadd.s32 $0x300000, s0;
	s23 =	sadd.s32 $0x301000, s0;
	s24 =	sadd.s32 $0x302000, s0  }
0xa: {  	s25 =	sadd.s32 $0x1000, s6;
	s26 =	sadd.s32 $0x303000, s0;
	s10 =	sadd.s32 $0x2000, s6  }
0xb: {  	s11 =	sadd.s32 $0x304000, s0;
	s12 =	sadd.s32 $0x3000, s6;
	s13 =	sadd.s32 $0x305000, s0  }
0xc: {  	s14 =	sadd.s32 $0x4000, s6;
	s15 =	sadd.s32 $0x306000, s0;
	[dreg:$0x4] =	wrdreg s22  }
0xd: {  	s16 =	sadd.s32 $0x5000, s6;
	s17 =	sadd.s32 $0x307000, s0;
	[dreg:$0x5] =	wrdreg s23  }
0xe: {  	s18 =	sadd.s32 $0x6000, s6;
	s19 =	sadd.s32 $0x7000, s6;
	[dreg:$0x6] =	wrdreg s24  }
0xf: {  	s20 =	smax.u32 s1, $0x1;
	s0 =	simm.s32 $0x0;
	[dreg:$0x7] =	wrdreg s25  }
0x10: {  	[dreg:$0x8] =	wrdreg s26;
	s22 =	simm.s32 $0x1000;
	s23 =	simm.s32 $0x9000  }
0x11: {  	s24 =	simm.s32 $0x1;
	s25 =	simm.s32 $0x11000;
	s26 =	simm.s32 $0x2  }
.LBB2_1:
0x12: {  	s1 =	rddreg [dreg:$0x1]  }
0x13: {  	[tilespmem:s3], [sflag:$0x7] =	stream.linear.gather [hbm4b:s1+s3], $0x1000, $0x38;
	[tilespmem:$0x19000] =	vst v63  }
0x14: {  	_ =	swait.ge [sflag:s21], $0x1000  }
0x15: {  	[sflag:s21] =	ssyncset.done $0x0  }
0x16: {  	s5 =	rddreg [dreg:$0x4];
	[sflag:s21] =	ssyncadd.s32 $0xFFFFF000  }
0x17: {  	[tilespmem:s22], [sflag:$0x1] =	stream.linear.gather [hbm4b:s5+s3], $0x8000, $0x38;
	[tilespmem:$0x19000] =	vst v63  }
0x18: {  	s7 =	rddreg [dreg:$0x5]  }
0x19: {  	[tilespmem:s23], [sflag:$0x2] =	stream.linear.gather [hbm4b:s7+s3], $0x8000, $0x38;
	[tilespmem:$0x19000] =	vst v63  }
0x1a: {  	_ =	swait.ge [sflag:s24], $0x8000  }
0x1b: {  	[sflag:s24] =	ssyncset.done $0x0  }
0x1c: {  	s8 =	sand.u32 $0x70, s3;
	s2 =	sand.u32 $0x7C00, s3;
	[sflag:s24] =	ssyncadd.s32 $0xFFFF8000  }
0x1d: {  	s2 =	sor.u32 s8, s2;
	v0 =	vld [tilespmem:s3+$0x0]  }
0x1e: {  	v1 =	vld [tilespmem:s2+$0x1300]  }
0x1f: {  	v2 =	vld [tilespmem:s2+$0x1100]  }
0x20: {  	v3 =	vld [tilespmem:s2+$0x1180]  }
0x21: {  	v4 =	vld [tilespmem:s2+$0x1280]  }
0x22: {  	v5 =	vld [tilespmem:s2+$0x1080]  }
0x23: {  	v6 =	vld [tilespmem:s2+$0x1200];
	v1 =	vmul.f32 v1, v0  }
0x24: {  	v7 =	vld [tilespmem:s2+$0x1000];
	v2 =	vmul.f32 v2, v0  }
0x25: {  	v3 =	vmul.f32 v3, v0;
	[tilespmem:s2+$0x1300] =	vst v1  }
0x26: {  	[tilespmem:s2+$0x1100] =	vst v2;
	v1 =	vmul.f32 v4, v0  }
0x27: {  	v2 =	vmul.f32 v5, v0;
	[tilespmem:s2+$0x1180] =	vst v3  }
0x28: {  	s9 =	sand.u32 $0x7, s3;
	v3 =	vmul.f32 v6, v0;
	[tilespmem:s2+$0x1280] =	vst v1  }
0x29: {  	s1 =	sshll.u32 s9, $0x4;
	v1 =	vmul.f32 v7, v0;
	[tilespmem:s2+$0x1080] =	vst v2  }
0x2a: {  	s4 =	sadd.s32 $0x0, s1;
	[tilespmem:s2+$0x1200] =	vst v3  }
0x2b: {  	s1 =	simm.s32 $0x10;
	s7 =	sor.u32 $0x380, s4;
	[tilespmem:s2+$0x1000] =	vst v1  }
0x2c: {  	s5 =	simm.s32 $0x0;
	s4 =	simm.s32 $0x0;
	s2 =	simm.s32 $0x0;
	v1 =	vld [tilespmem:s7+$0x1000]  }
.LBB2_2:
0x2d: {  	s2 =	sadd.s32 $0x80, s2;
	s4 =	sadd.s32 $0x1, s4;
	s5 =	sadd.s32 $0x10, s5  }
0x2e: {  	p0 =	sne.s32 s1, $0xFF0;
	s8 =	smov.u32 s1;
	s1 =	sadd.s32 $0x10, s1  }
0x2f: {  	_ =	sdelay $0x1  }
0x30: {  	v0 =	vmul.f32 v1, v0;
	_ =	sdelay $0x1  }
0x31: {  	[tilespmem:s7+$0x1000] =	vst v0  }
0x32: {  	s7 =	sand.u32 $0x70, s8;
	s8 =	sand.u32 $0x7C00, s2  }
0x33: {  	s7 =	sor.u32 s7, s8;
	v0 =	vld [tilespmem:s5+$0x0]  }
0x34: {  	v1 =	vld [tilespmem:s7+$0x1300]  }
0x35: {  	v2 =	vld [tilespmem:s7+$0x1100]  }
0x36: {  	v3 =	vld [tilespmem:s7+$0x1180]  }
0x37: {  	v4 =	vld [tilespmem:s7+$0x1280]  }
0x38: {  	v5 =	vld [tilespmem:s7+$0x1080]  }
0x39: {  	v6 =	vld [tilespmem:s7+$0x1200];
	v1 =	vmul.f32 v1, v0  }
0x3a: {  	v7 =	vld [tilespmem:s7+$0x1000];
	v2 =	vmul.f32 v2, v0  }
0x3b: {  	v3 =	vmul.f32 v3, v0;
	[tilespmem:s7+$0x1300] =	vst v1  }
0x3c: {  	[tilespmem:s7+$0x1100] =	vst v2;
	v1 =	vmul.f32 v4, v0  }
0x3d: {  	v2 =	vmul.f32 v5, v0;
	[tilespmem:s7+$0x1180] =	vst v3  }
.Ltmp0:
0x3e: {  	s8 =	sand.u32 $0x7, s4;
	v3 =	vmul.f32 v6, v0;
	[tilespmem:s7+$0x1280] =	vst v1;
	(pc) =	sbr.rel @p0 .LBB2_2-.Ltmp0, $4  }
0x3f: {  	s8 =	sshll.u32 s8, $0x4;
	v1 =	vmul.f32 v7, v0;
	[tilespmem:s7+$0x1080] =	vst v2  }
0x40: {  	s8 =	sadd.s32 s8, s2;
	[tilespmem:s7+$0x1200] =	vst v3  }
0x41: {  	[tilespmem:s7+$0x1000] =	vst v1;
	s7 =	sor.u32 $0x380, s8  }
0x42: {  	v1 =	vld [tilespmem:s7+$0x1000]  }
0x43: {  	_ =	sdelay $0x3  }
0x44: {  	v0 =	vmul.f32 v1, v0;
	_ =	sdelay $0x1  }
0x45: {  	s1 =	simm.s32 $0x0;
	[tilespmem:s7+$0x1000] =	vst v0  }
0x46: {  	[hbm4b:s6+s1] =	stream.linear.scatter [tilespmem:s22], [sflag:$0x4], $0x8000, $0x38;
	[tilespmem:$0x19000] =	vst v63  }
0x47: {  	s2 =	rddreg [dreg:$0x6]  }
0x48: {  	[tilespmem:s25], [sflag:$0x3] =	stream.linear.gather [hbm4b:s2+s1], $0x8000, $0x38;
	[tilespmem:$0x19000] =	vst v63  }
0x49: {  	_ =	swait.ge [sflag:s26], $0x8000  }
0x4a: {  	[sflag:s26] =	ssyncset.done $0x0  }
0x4b: {  	s8 =	sand.u32 $0x70, s1;
	s4 =	sand.u32 $0x7C00, s1;
	[sflag:s26] =	ssyncadd.s32 $0xFFFF8000  }
0x4c: {  	s2 =	sor.u32 s8, s4;
	v0 =	vld [tilespmem:s1+$0x0]  }
0x4d: {  	v1 =	vld [tilespmem:s2+$0x9300]  }
0x4e: {  	v2 =	vld [tilespmem:s2+$0x9100]  }
0x4f: {  	v3 =	vld [tilespmem:s2+$0x9180]  }
0x50: {  	v4 =	vld [tilespmem:s2+$0x9280]  }
0x51: {  	v5 =	vld [tilespmem:s2+$0x9080]  }
0x52: {  	v6 =	vld [tilespmem:s2+$0x9200];
	v1 =	vmul.f32 v1, v0  }
0x53: {  	v7 =	vld [tilespmem:s2+$0x9000];
	v2 =	vmul.f32 v2, v0  }
0x54: {  	v3 =	vmul.f32 v3, v0;
	[tilespmem:s2+$0x9300] =	vst v1  }
0x55: {  	[tilespmem:s2+$0x9100] =	vst v2;
	v1 =	vmul.f32 v4, v0  }
0x56: {  	v2 =	vmul.f32 v5, v0;
	[tilespmem:s2+$0x9180] =	vst v3  }
0x57: {  	s9 =	sand.u32 $0x7, s1;
	v3 =	vmul.f32 v6, v0;
	[tilespmem:s2+$0x9280] =	vst v1  }
0x58: {  	s4 =	sshll.u32 s9, $0x4;
	v1 =	vmul.f32 v7, v0;
	[tilespmem:s2+$0x9080] =	vst v2  }
0x59: {  	s4 =	sadd.s32 $0x0, s4;
	[tilespmem:s2+$0x9200] =	vst v3  }
0x5a: {  	s7 =	sor.u32 $0x380, s4;
	[tilespmem:s2+$0x9000] =	vst v1  }
0x5b: {  	s5 =	simm.s32 $0x0;
	s4 =	simm.s32 $0x0;
	s2 =	simm.s32 $0x10;
	v1 =	vld [tilespmem:s7+$0x9000]  }
.LBB2_4:
0x5c: {  	s1 =	sadd.s32 $0x80, s1;
	s4 =	sadd.s32 $0x1, s4;
	s5 =	sadd.s32 $0x10, s5  }
0x5d: {  	p0 =	sne.s32 s2, $0xFF0;
	s8 =	smov.u32 s2;
	s2 =	sadd.s32 $0x10, s2  }
0x5e: {  	_ =	sdelay $0x1  }
0x5f: {  	v0 =	vmul.f32 v1, v0;
	_ =	sdelay $0x1  }
0x60: {  	[tilespmem:s7+$0x9000] =	vst v0  }
0x61: {  	s7 =	sand.u32 $0x70, s8;
	s8 =	sand.u32 $0x7C00, s1  }
0x62: {  	s7 =	sor.u32 s7, s8;
	v0 =	vld [tilespmem:s5+$0x0]  }
0x63: {  	v1 =	vld [tilespmem:s7+$0x9300]  }
0x64: {  	v2 =	vld [tilespmem:s7+$0x9100]  }
0x65: {  	v3 =	vld [tilespmem:s7+$0x9180]  }
0x66: {  	v4 =	vld [tilespmem:s7+$0x9280]  }
0x67: {  	v5 =	vld [tilespmem:s7+$0x9080]  }
0x68: {  	v6 =	vld [tilespmem:s7+$0x9200];
	v1 =	vmul.f32 v1, v0  }
0x69: {  	v7 =	vld [tilespmem:s7+$0x9000];
	v2 =	vmul.f32 v2, v0  }
0x6a: {  	v3 =	vmul.f32 v3, v0;
	[tilespmem:s7+$0x9300] =	vst v1  }
0x6b: {  	[tilespmem:s7+$0x9100] =	vst v2;
	v1 =	vmul.f32 v4, v0  }
0x6c: {  	v2 =	vmul.f32 v5, v0;
	[tilespmem:s7+$0x9180] =	vst v3  }
.Ltmp1:
0x6d: {  	s8 =	sand.u32 $0x7, s4;
	v3 =	vmul.f32 v6, v0;
	[tilespmem:s7+$0x9280] =	vst v1;
	(pc) =	sbr.rel @p0 .LBB2_4-.Ltmp1, $4  }
0x6e: {  	s8 =	sshll.u32 s8, $0x4;
	v1 =	vmul.f32 v7, v0;
	[tilespmem:s7+$0x9080] =	vst v2  }
0x6f: {  	s8 =	sadd.s32 s8, s1;
	[tilespmem:s7+$0x9200] =	vst v3  }
0x70: {  	[tilespmem:s7+$0x9000] =	vst v1;
	s7 =	sor.u32 $0x380, s8  }
0x71: {  	v1 =	vld [tilespmem:s7+$0x9000]  }
0x72: {  	_ =	sdelay $0x3  }
0x73: {  	v0 =	vmul.f32 v1, v0;
	_ =	sdelay $0x1  }
0x74: {  	s1 =	simm.s32 $0x0;
	s2 =	rddreg [dreg:$0x7];
	[tilespmem:s7+$0x9000] =	vst v0  }
0x75: {  	[hbm4b:s2+s1] =	stream.linear.scatter [tilespmem:s23], [sflag:$0x5], $0x8000, $0x38;
	[tilespmem:$0x19000] =	vst v63  }
0x76: {  	_ =	swait.ge [sflag:s28], $0x8000  }
0x77: {  	[sflag:s28] =	ssyncset.done $0x0  }
0x78: {  	s7 =	rddreg [dreg:$0x8];
	[sflag:s28] =	ssyncadd.s32 $0xFFFF8000  }
0x79: {  	[tilespmem:s22], [sflag:$0x1] =	stream.linear.gather [hbm4b:s7+s1], $0x8000, $0x38;
	[tilespmem:$0x19000] =	vst v63  }
0x7a: {  	_ =	swait.ge [sflag:s29], $0x8000  }
0x7b: {  	[sflag:s29] =	ssyncset.done $0x0  }
0x7c: {  	s8 =	sand.u32 $0x70, s1;
	s4 =	sand.u32 $0x7C00, s1;
	[sflag:s29] =	ssyncadd.s32 $0xFFFF8000  }
0x7d: {  	s2 =	sor.u32 s8, s4;
	v0 =	vld [tilespmem:s1+$0x0]  }
0x7e: {  	s4 =	sadd.s32 $0x11000, s2;
	v1 =	vld [tilespmem:s2+$0x11000]  }
0x7f: {  	v2 =	vld [tilespmem:s4+$0x300]  }
0x80: {  	v3 =	vld [tilespmem:s4+$0x180]  }
0x81: {  	v4 =	vld [tilespmem:s4+$0x200]  }
0x82: {  	v6 =	vld [tilespmem:s4+$0x100]  }
0x83: {  	v5 =	vld [tilespmem:s4+$0x280];
	v1 =	vmul.f32 v1, v0  }
0x84: {  	v7 =	vld [tilespmem:s4+$0x80];
	v2 =	vmul.f32 v2, v0  }
0x85: {  	[tilespmem:s2+$0x11000] =	vst v1;
	v1 =	vmul.f32 v3, v0  }
0x86: {  	v3 =	vmul.f32 v4, v0;
	[tilespmem:s4+$0x300] =	vst v2  }
0x87: {  	v2 =	vmul.f32 v6, v0;
	[tilespmem:s4+$0x180] =	vst v1  }
0x88: {  	s9 =	sand.u32 $0x7, s1;
	v1 =	vmul.f32 v5, v0;
	[tilespmem:s4+$0x200] =	vst v3  }
0x89: {  	s2 =	sshll.u32 s9, $0x4;
	v3 =	vmul.f32 v7, v0;
	[tilespmem:s4+$0x100] =	vst v2  }
0x8a: {  	s2 =	sadd.s32 $0x0, s2;
	[tilespmem:s4+$0x280] =	vst v1  }
0x8b: {  	s7 =	sor.u32 $0x380, s2;
	[tilespmem:s4+$0x80] =	vst v3  }
0x8c: {  	s5 =	simm.s32 $0x0;
	s2 =	simm.s32 $0x10;
	s4 =	simm.s32 $0x0;
	v1 =	vld [tilespmem:s7+$0x11000]  }
.LBB2_6:
0x8d: {  	_ = 	snop  }
0x8e: {  	s1 =	sadd.s32 $0x80, s1;
	s4 =	sadd.s32 $0x1, s4;
	s5 =	sadd.s32 $0x10, s5  }
0x8f: {  	p0 =	sne.s32 s2, $0xFF0;
	s8 =	smov.u32 s2;
	s2 =	sadd.s32 $0x10, s2  }
0x90: {  	_ = 	snop  }
0x91: {  	v0 =	vmul.f32 v1, v0;
	_ =	sdelay $0x1  }
0x92: {  	s8 =	sand.u32 $0x70, s8;
	s9 =	sand.u32 $0x7C00, s1;
	[tilespmem:s7+$0x11000] =	vst v0  }
0x93: {  	s7 =	sor.u32 s8, s9;
	v0 =	vld [tilespmem:s5+$0x0]  }
0x94: {  	s8 =	sadd.s32 $0x11000, s7;
	v1 =	vld [tilespmem:s7+$0x11000]  }
0x95: {  	v2 =	vld [tilespmem:s8+$0x300]  }
0x96: {  	v3 =	vld [tilespmem:s8+$0x180]  }
0x97: {  	v4 =	vld [tilespmem:s8+$0x200]  }
0x98: {  	v5 =	vld [tilespmem:s8+$0x280]  }
0x99: {  	v1 =	vmul.f32 v1, v0;
	v6 =	vld [tilespmem:s8+$0x100]  }
0x9a: {  	v7 =	vld [tilespmem:s8+$0x80];
	v2 =	vmul.f32 v2, v0  }
0x9b: {  	[tilespmem:s7+$0x11000] =	vst v1;
	v1 =	vmul.f32 v3, v0  }
0x9c: {  	v3 =	vmul.f32 v4, v0;
	[tilespmem:s8+$0x300] =	vst v2  }
0x9d: {  	[tilespmem:s8+$0x180] =	vst v1;
	v1 =	vmul.f32 v5, v0  }
.Ltmp2:
0x9e: {  	s7 =	sand.u32 $0x7, s4;
	v2 =	vmul.f32 v6, v0;
	[tilespmem:s8+$0x200] =	vst v3;
	(pc) =	sbr.rel @p0 .LBB2_6-.Ltmp2, $4  }
0x9f: {  	s7 =	sshll.u32 s7, $0x4;
	v3 =	vmul.f32 v7, v0;
	[tilespmem:s8+$0x280] =	vst v1  }
0xa0: {  	s7 =	sadd.s32 s7, s1;
	[tilespmem:s8+$0x100] =	vst v2  }
0xa1: {  	s7 =	sor.u32 $0x380, s7;
	[tilespmem:s8+$0x80] =	vst v3  }
0xa2: {  	v1 =	vld [tilespmem:s7+$0x11000]  }
0xa3: {  	_ =	sdelay $0x3  }
0xa4: {  	v0 =	vmul.f32 v1, v0;
	_ =	sdelay $0x1  }
0xa5: {  	s1 =	simm.s32 $0x0;
	[tilespmem:s7+$0x11000] =	vst v0  }
0xa6: {  	[hbm4b:s10+s1] =	stream.linear.scatter [tilespmem:s25], [sflag:$0x6], $0x8000, $0x38;
	[tilespmem:$0x19000] =	vst v63  }
0xa7: {  	_ =	swait.ge [sflag:s30], $0x8000  }
0xa8: {  	[sflag:s30] =	ssyncset.done $0x0  }
0xa9: {  	[sflag:s30] =	ssyncadd.s32 $0xFFFF8000  }
0xaa: {  	[tilespmem:s23], [sflag:$0x2] =	stream.linear.gather [hbm4b:s11+s1], $0x8000, $0x38;
	[tilespmem:$0x19000] =	vst v63  }
0xab: {  	_ =	swait.ge [sflag:s24], $0x8000  }
0xac: {  	[sflag:s24] =	ssyncset.done $0x0  }
0xad: {  	s2 =	sand.u32 $0x70, s1;
	s4 =	sand.u32 $0x7C00, s1;
	[sflag:s24] =	ssyncadd.s32 $0xFFFF8000  }
0xae: {  	s2 =	sor.u32 s2, s4;
	v0 =	vld [tilespmem:s1+$0x0]  }
0xaf: {  	v1 =	vld [tilespmem:s2+$0x1300]  }
0xb0: {  	v2 =	vld [tilespmem:s2+$0x1100]  }
0xb1: {  	v3 =	vld [tilespmem:s2+$0x1180]  }
0xb2: {  	v4 =	vld [tilespmem:s2+$0x1280]  }
0xb3: {  	v5 =	vld [tilespmem:s2+$0x1080]  }
0xb4: {  	v6 =	vld [tilespmem:s2+$0x1200];
	v1 =	vmul.f32 v1, v0  }
0xb5: {  	v7 =	vld [tilespmem:s2+$0x1000];
	v2 =	vmul.f32 v2, v0  }
0xb6: {  	v3 =	vmul.f32 v3, v0;
	[tilespmem:s2+$0x1300] =	vst v1  }
0xb7: {  	[tilespmem:s2+$0x1100] =	vst v2;
	v1 =	vmul.f32 v4, v0  }
0xb8: {  	v2 =	vmul.f32 v5, v0;
	[tilespmem:s2+$0x1180] =	vst v3  }
0xb9: {  	s9 =	sand.u32 $0x7, s1;
	v3 =	vmul.f32 v6, v0;
	[tilespmem:s2+$0x1280] =	vst v1  }
0xba: {  	s4 =	sshll.u32 s9, $0x4;
	v1 =	vmul.f32 v7, v0;
	[tilespmem:s2+$0x1080] =	vst v2  }
0xbb: {  	s4 =	sadd.s32 $0x0, s4;
	[tilespmem:s2+$0x1200] =	vst v3  }
0xbc: {  	s7 =	sor.u32 $0x380, s4;
	[tilespmem:s2+$0x1000] =	vst v1  }
0xbd: {  	s5 =	simm.s32 $0x0;
	s4 =	simm.s32 $0x0;
	s2 =	simm.s32 $0x10;
	v1 =	vld [tilespmem:s7+$0x1000]  }
.LBB2_8:
0xbe: {  	s1 =	sadd.s32 $0x80, s1;
	s4 =	sadd.s32 $0x1, s4;
	s5 =	sadd.s32 $0x10, s5  }
0xbf: {  	p0 =	sne.s32 s2, $0xFF0;
	s8 =	smov.u32 s2;
	s2 =	sadd.s32 $0x10, s2  }
0xc0: {  	_ =	sdelay $0x1  }
0xc1: {  	v0 =	vmul.f32 v1, v0;
	_ =	sdelay $0x1  }
0xc2: {  	[tilespmem:s7+$0x1000] =	vst v0  }
0xc3: {  	s7 =	sand.u32 $0x70, s8;
	s8 =	sand.u32 $0x7C00, s1  }
0xc4: {  	s7 =	sor.u32 s7, s8;
	v0 =	vld [tilespmem:s5+$0x0]  }
0xc5: {  	v1 =	vld [tilespmem:s7+$0x1300]  }
0xc6: {  	v2 =	vld [tilespmem:s7+$0x1100]  }
0xc7: {  	v3 =	vld [tilespmem:s7+$0x1180]  }
0xc8: {  	v4 =	vld [tilespmem:s7+$0x1280]  }
0xc9: {  	v5 =	vld [tilespmem:s7+$0x1080]  }
0xca: {  	v6 =	vld [tilespmem:s7+$0x1200];
	v1 =	vmul.f32 v1, v0  }
0xcb: {  	v7 =	vld [tilespmem:s7+$0x1000];
	v2 =	vmul.f32 v2, v0  }
0xcc: {  	v3 =	vmul.f32 v3, v0;
	[tilespmem:s7+$0x1300] =	vst v1  }
0xcd: {  	[tilespmem:s7+$0x1100] =	vst v2;
	v1 =	vmul.f32 v4, v0  }
0xce: {  	v2 =	vmul.f32 v5, v0;
	[tilespmem:s7+$0x1180] =	vst v3  }
.Ltmp3:
0xcf: {  	s8 =	sand.u32 $0x7, s4;
	v3 =	vmul.f32 v6, v0;
	[tilespmem:s7+$0x1280] =	vst v1;
	(pc) =	sbr.rel @p0 .LBB2_8-.Ltmp3, $4  }
0xd0: {  	s8 =	sshll.u32 s8, $0x4;
	v1 =	vmul.f32 v7, v0;
	[tilespmem:s7+$0x1080] =	vst v2  }
0xd1: {  	s8 =	sadd.s32 s8, s1;
	[tilespmem:s7+$0x1200] =	vst v3  }
0xd2: {  	[tilespmem:s7+$0x1000] =	vst v1;
	s7 =	sor.u32 $0x380, s8  }
0xd3: {  	v1 =	vld [tilespmem:s7+$0x1000]  }
0xd4: {  	_ =	sdelay $0x3  }
0xd5: {  	v0 =	vmul.f32 v1, v0;
	_ =	sdelay $0x1  }
0xd6: {  	s1 =	simm.s32 $0x0;
	[tilespmem:s7+$0x1000] =	vst v0  }
0xd7: {  	[hbm4b:s12+s1] =	stream.linear.scatter [tilespmem:s22], [sflag:$0x4], $0x8000, $0x38;
	[tilespmem:$0x19000] =	vst v63  }
0xd8: {  	_ =	swait.ge [sflag:s31], $0x8000  }
0xd9: {  	[sflag:s31] =	ssyncset.done $0x0  }
0xda: {  	[sflag:s31] =	ssyncadd.s32 $0xFFFF8000  }
0xdb: {  	[tilespmem:s25], [sflag:$0x3] =	stream.linear.gather [hbm4b:s13+s1], $0x8000, $0x38;
	[tilespmem:$0x19000] =	vst v63  }
0xdc: {  	_ =	swait.ge [sflag:s26], $0x8000  }
0xdd: {  	[sflag:s26] =	ssyncset.done $0x0  }
0xde: {  	s2 =	sand.u32 $0x70, s1;
	s4 =	sand.u32 $0x7C00, s1;
	[sflag:s26] =	ssyncadd.s32 $0xFFFF8000  }
0xdf: {  	s2 =	sor.u32 s2, s4;
	v0 =	vld [tilespmem:s1+$0x0]  }
0xe0: {  	v1 =	vld [tilespmem:s2+$0x9300]  }
0xe1: {  	v2 =	vld [tilespmem:s2+$0x9100]  }
0xe2: {  	v3 =	vld [tilespmem:s2+$0x9180]  }
0xe3: {  	v4 =	vld [tilespmem:s2+$0x9280]  }
0xe4: {  	v5 =	vld [tilespmem:s2+$0x9080]  }
0xe5: {  	v6 =	vld [tilespmem:s2+$0x9200];
	v1 =	vmul.f32 v1, v0  }
0xe6: {  	v7 =	vld [tilespmem:s2+$0x9000];
	v2 =	vmul.f32 v2, v0  }
0xe7: {  	v3 =	vmul.f32 v3, v0;
	[tilespmem:s2+$0x9300] =	vst v1  }
0xe8: {  	[tilespmem:s2+$0x9100] =	vst v2;
	v1 =	vmul.f32 v4, v0  }
0xe9: {  	v2 =	vmul.f32 v5, v0;
	[tilespmem:s2+$0x9180] =	vst v3  }
0xea: {  	s9 =	sand.u32 $0x7, s1;
	v3 =	vmul.f32 v6, v0;
	[tilespmem:s2+$0x9280] =	vst v1  }
0xeb: {  	s4 =	sshll.u32 s9, $0x4;
	v1 =	vmul.f32 v7, v0;
	[tilespmem:s2+$0x9080] =	vst v2  }
0xec: {  	s4 =	sadd.s32 $0x0, s4;
	[tilespmem:s2+$0x9200] =	vst v3  }
0xed: {  	s7 =	sor.u32 $0x380, s4;
	[tilespmem:s2+$0x9000] =	vst v1  }
0xee: {  	s5 =	simm.s32 $0x0;
	s4 =	simm.s32 $0x0;
	s2 =	simm.s32 $0x10;
	v1 =	vld [tilespmem:s7+$0x9000]  }
.LBB2_10:
0xef: {  	s1 =	sadd.s32 $0x80, s1;
	s4 =	sadd.s32 $0x1, s4;
	s5 =	sadd.s32 $0x10, s5  }
0xf0: {  	p0 =	sne.s32 s2, $0xFF0;
	s8 =	smov.u32 s2;
	s2 =	sadd.s32 $0x10, s2  }
0xf1: {  	_ =	sdelay $0x1  }
0xf2: {  	v0 =	vmul.f32 v1, v0;
	_ =	sdelay $0x1  }
0xf3: {  	[tilespmem:s7+$0x9000] =	vst v0  }
0xf4: {  	s7 =	sand.u32 $0x70, s8;
	s8 =	sand.u32 $0x7C00, s1  }
0xf5: {  	s7 =	sor.u32 s7, s8;
	v0 =	vld [tilespmem:s5+$0x0]  }
0xf6: {  	v1 =	vld [tilespmem:s7+$0x9300]  }
0xf7: {  	v2 =	vld [tilespmem:s7+$0x9100]  }
0xf8: {  	v3 =	vld [tilespmem:s7+$0x9180]  }
0xf9: {  	v4 =	vld [tilespmem:s7+$0x9280]  }
0xfa: {  	v5 =	vld [tilespmem:s7+$0x9080]  }
0xfb: {  	v6 =	vld [tilespmem:s7+$0x9200];
	v1 =	vmul.f32 v1, v0  }
0xfc: {  	v7 =	vld [tilespmem:s7+$0x9000];
	v2 =	vmul.f32 v2, v0  }
0xfd: {  	v3 =	vmul.f32 v3, v0;
	[tilespmem:s7+$0x9300] =	vst v1  }
0xfe: {  	[tilespmem:s7+$0x9100] =	vst v2;
	v1 =	vmul.f32 v4, v0  }
0xff: {  	v2 =	vmul.f32 v5, v0;
	[tilespmem:s7+$0x9180] =	vst v3  }
.Ltmp4:
0x100: {  	s8 =	sand.u32 $0x7, s4;
	v3 =	vmul.f32 v6, v0;
	[tilespmem:s7+$0x9280] =	vst v1;
	(pc) =	sbr.rel @p0 .LBB2_10-.Ltmp4, $4  }
0x101: {  	s8 =	sshll.u32 s8, $0x4;
	v1 =	vmul.f32 v7, v0;
	[tilespmem:s7+$0x9080] =	vst v2  }
0x102: {  	s8 =	sadd.s32 s8, s1;
	[tilespmem:s7+$0x9200] =	vst v3  }
0x103: {  	[tilespmem:s7+$0x9000] =	vst v1;
	s7 =	sor.u32 $0x380, s8  }
0x104: {  	v1 =	vld [tilespmem:s7+$0x9000]  }
0x105: {  	_ =	sdelay $0x3  }
0x106: {  	v0 =	vmul.f32 v1, v0;
	_ =	sdelay $0x1  }
0x107: {  	s1 =	simm.s32 $0x0;
	[tilespmem:s7+$0x9000] =	vst v0  }
0x108: {  	[hbm4b:s14+s1] =	stream.linear.scatter [tilespmem:s23], [sflag:$0x5], $0x8000, $0x38;
	[tilespmem:$0x19000] =	vst v63  }
0x109: {  	_ =	swait.ge [sflag:s28], $0x8000  }
0x10a: {  	[sflag:s28] =	ssyncset.done $0x0  }
0x10b: {  	[sflag:s28] =	ssyncadd.s32 $0xFFFF8000  }
0x10c: {  	[tilespmem:s22], [sflag:$0x1] =	stream.linear.gather [hbm4b:s15+s1], $0x8000, $0x38;
	[tilespmem:$0x19000] =	vst v63  }
0x10d: {  	_ =	swait.ge [sflag:s29], $0x8000  }
0x10e: {  	[sflag:s29] =	ssyncset.done $0x0  }
0x10f: {  	s2 =	sand.u32 $0x70, s1;
	s4 =	sand.u32 $0x7C00, s1;
	[sflag:s29] =	ssyncadd.s32 $0xFFFF8000  }
0x110: {  	s2 =	sor.u32 s2, s4;
	v0 =	vld [tilespmem:s1+$0x0]  }
0x111: {  	s4 =	sadd.s32 $0x11000, s2;
	v1 =	vld [tilespmem:s2+$0x11000]  }
0x112: {  	v2 =	vld [tilespmem:s4+$0x300]  }
0x113: {  	v3 =	vld [tilespmem:s4+$0x180]  }
0x114: {  	v4 =	vld [tilespmem:s4+$0x200]  }
0x115: {  	v6 =	vld [tilespmem:s4+$0x100]  }
0x116: {  	v5 =	vld [tilespmem:s4+$0x280];
	v1 =	vmul.f32 v1, v0  }
0x117: {  	v7 =	vld [tilespmem:s4+$0x80];
	v2 =	vmul.f32 v2, v0  }
0x118: {  	[tilespmem:s2+$0x11000] =	vst v1;
	v1 =	vmul.f32 v3, v0  }
0x119: {  	v3 =	vmul.f32 v4, v0;
	[tilespmem:s4+$0x300] =	vst v2  }
0x11a: {  	v2 =	vmul.f32 v6, v0;
	[tilespmem:s4+$0x180] =	vst v1  }
0x11b: {  	s9 =	sand.u32 $0x7, s1;
	v1 =	vmul.f32 v5, v0;
	[tilespmem:s4+$0x200] =	vst v3  }
0x11c: {  	s2 =	sshll.u32 s9, $0x4;
	v3 =	vmul.f32 v7, v0;
	[tilespmem:s4+$0x100] =	vst v2  }
0x11d: {  	s2 =	sadd.s32 $0x0, s2;
	[tilespmem:s4+$0x280] =	vst v1  }
0x11e: {  	s7 =	sor.u32 $0x380, s2;
	[tilespmem:s4+$0x80] =	vst v3  }
0x11f: {  	s5 =	simm.s32 $0x0;
	s2 =	simm.s32 $0x10;
	s4 =	simm.s32 $0x0;
	v1 =	vld [tilespmem:s7+$0x11000]  }
.LBB2_12:
0x120: {  	_ = 	snop  }
0x121: {  	s1 =	sadd.s32 $0x80, s1;
	s4 =	sadd.s32 $0x1, s4;
	s5 =	sadd.s32 $0x10, s5  }
0x122: {  	p0 =	sne.s32 s2, $0xFF0;
	s8 =	smov.u32 s2;
	s2 =	sadd.s32 $0x10, s2  }
0x123: {  	_ = 	snop  }
0x124: {  	v0 =	vmul.f32 v1, v0;
	_ =	sdelay $0x1  }
0x125: {  	s8 =	sand.u32 $0x70, s8;
	s9 =	sand.u32 $0x7C00, s1;
	[tilespmem:s7+$0x11000] =	vst v0  }
0x126: {  	s7 =	sor.u32 s8, s9;
	v0 =	vld [tilespmem:s5+$0x0]  }
0x127: {  	s8 =	sadd.s32 $0x11000, s7;
	v1 =	vld [tilespmem:s7+$0x11000]  }
0x128: {  	v2 =	vld [tilespmem:s8+$0x300]  }
0x129: {  	v3 =	vld [tilespmem:s8+$0x180]  }
0x12a: {  	v4 =	vld [tilespmem:s8+$0x200]  }
0x12b: {  	v5 =	vld [tilespmem:s8+$0x280]  }
0x12c: {  	v1 =	vmul.f32 v1, v0;
	v6 =	vld [tilespmem:s8+$0x100]  }
0x12d: {  	v7 =	vld [tilespmem:s8+$0x80];
	v2 =	vmul.f32 v2, v0  }
0x12e: {  	[tilespmem:s7+$0x11000] =	vst v1;
	v1 =	vmul.f32 v3, v0  }
0x12f: {  	v3 =	vmul.f32 v4, v0;
	[tilespmem:s8+$0x300] =	vst v2  }
0x130: {  	[tilespmem:s8+$0x180] =	vst v1;
	v1 =	vmul.f32 v5, v0  }
.Ltmp5:
0x131: {  	s7 =	sand.u32 $0x7, s4;
	v2 =	vmul.f32 v6, v0;
	[tilespmem:s8+$0x200] =	vst v3;
	(pc) =	sbr.rel @p0 .LBB2_12-.Ltmp5, $4  }
0x132: {  	s7 =	sshll.u32 s7, $0x4;
	v3 =	vmul.f32 v7, v0;
	[tilespmem:s8+$0x280] =	vst v1  }
0x133: {  	s7 =	sadd.s32 s7, s1;
	[tilespmem:s8+$0x100] =	vst v2  }
0x134: {  	s7 =	sor.u32 $0x380, s7;
	[tilespmem:s8+$0x80] =	vst v3  }
0x135: {  	v1 =	vld [tilespmem:s7+$0x11000]  }
0x136: {  	_ =	sdelay $0x3  }
0x137: {  	v0 =	vmul.f32 v1, v0;
	_ =	sdelay $0x1  }
0x138: {  	s1 =	simm.s32 $0x0;
	[tilespmem:s7+$0x11000] =	vst v0  }
0x139: {  	[hbm4b:s16+s1] =	stream.linear.scatter [tilespmem:s25], [sflag:$0x6], $0x8000, $0x38;
	[tilespmem:$0x19000] =	vst v63  }
0x13a: {  	_ =	swait.ge [sflag:s30], $0x8000  }
0x13b: {  	[sflag:s30] =	ssyncset.done $0x0  }
0x13c: {  	[sflag:s30] =	ssyncadd.s32 $0xFFFF8000  }
0x13d: {  	[tilespmem:s23], [sflag:$0x2] =	stream.linear.gather [hbm4b:s17+s1], $0x8000, $0x38;
	[tilespmem:$0x19000] =	vst v63  }
0x13e: {  	_ =	swait.ge [sflag:s24], $0x8000  }
0x13f: {  	[sflag:s24] =	ssyncset.done $0x0  }
0x140: {  	s2 =	sand.u32 $0x70, s1;
	s4 =	sand.u32 $0x7C00, s1;
	[sflag:s24] =	ssyncadd.s32 $0xFFFF8000  }
0x141: {  	s2 =	sor.u32 s2, s4;
	v0 =	vld [tilespmem:s1+$0x0]  }
0x142: {  	v1 =	vld [tilespmem:s2+$0x1300]  }
0x143: {  	v2 =	vld [tilespmem:s2+$0x1100]  }
0x144: {  	v3 =	vld [tilespmem:s2+$0x1180]  }
0x145: {  	v4 =	vld [tilespmem:s2+$0x1280]  }
0x146: {  	v5 =	vld [tilespmem:s2+$0x1080]  }
0x147: {  	v6 =	vld [tilespmem:s2+$0x1200];
	v1 =	vmul.f32 v1, v0  }
0x148: {  	v7 =	vld [tilespmem:s2+$0x1000];
	v2 =	vmul.f32 v2, v0  }
0x149: {  	v3 =	vmul.f32 v3, v0;
	[tilespmem:s2+$0x1300] =	vst v1  }
0x14a: {  	[tilespmem:s2+$0x1100] =	vst v2;
	v1 =	vmul.f32 v4, v0  }
0x14b: {  	v2 =	vmul.f32 v5, v0;
	[tilespmem:s2+$0x1180] =	vst v3  }
0x14c: {  	s9 =	sand.u32 $0x7, s1;
	v3 =	vmul.f32 v6, v0;
	[tilespmem:s2+$0x1280] =	vst v1  }
0x14d: {  	s4 =	sshll.u32 s9, $0x4;
	v1 =	vmul.f32 v7, v0;
	[tilespmem:s2+$0x1080] =	vst v2  }
0x14e: {  	s4 =	sadd.s32 $0x0, s4;
	[tilespmem:s2+$0x1200] =	vst v3  }
0x14f: {  	s7 =	sor.u32 $0x380, s4;
	[tilespmem:s2+$0x1000] =	vst v1  }
0x150: {  	s5 =	simm.s32 $0x0;
	s4 =	simm.s32 $0x0;
	s2 =	simm.s32 $0x10;
	v1 =	vld [tilespmem:s7+$0x1000]  }
.LBB2_14:
0x151: {  	s1 =	sadd.s32 $0x80, s1;
	s4 =	sadd.s32 $0x1, s4;
	s5 =	sadd.s32 $0x10, s5  }
0x152: {  	p0 =	sne.s32 s2, $0xFF0;
	s8 =	smov.u32 s2;
	s2 =	sadd.s32 $0x10, s2  }
0x153: {  	_ =	sdelay $0x1  }
0x154: {  	v0 =	vmul.f32 v1, v0;
	_ =	sdelay $0x1  }
0x155: {  	[tilespmem:s7+$0x1000] =	vst v0  }
0x156: {  	s7 =	sand.u32 $0x70, s8;
	s8 =	sand.u32 $0x7C00, s1  }
0x157: {  	s7 =	sor.u32 s7, s8;
	v0 =	vld [tilespmem:s5+$0x0]  }
0x158: {  	v1 =	vld [tilespmem:s7+$0x1300]  }
0x159: {  	v2 =	vld [tilespmem:s7+$0x1100]  }
0x15a: {  	v3 =	vld [tilespmem:s7+$0x1180]  }
0x15b: {  	v4 =	vld [tilespmem:s7+$0x1280]  }
0x15c: {  	v5 =	vld [tilespmem:s7+$0x1080]  }
0x15d: {  	v6 =	vld [tilespmem:s7+$0x1200];
	v1 =	vmul.f32 v1, v0  }
0x15e: {  	v7 =	vld [tilespmem:s7+$0x1000];
	v2 =	vmul.f32 v2, v0  }
0x15f: {  	v3 =	vmul.f32 v3, v0;
	[tilespmem:s7+$0x1300] =	vst v1  }
0x160: {  	[tilespmem:s7+$0x1100] =	vst v2;
	v1 =	vmul.f32 v4, v0  }
0x161: {  	v2 =	vmul.f32 v5, v0;
	[tilespmem:s7+$0x1180] =	vst v3  }
.Ltmp6:
0x162: {  	s8 =	sand.u32 $0x7, s4;
	v3 =	vmul.f32 v6, v0;
	[tilespmem:s7+$0x1280] =	vst v1;
	(pc) =	sbr.rel @p0 .LBB2_14-.Ltmp6, $4  }
0x163: {  	s8 =	sshll.u32 s8, $0x4;
	v1 =	vmul.f32 v7, v0;
	[tilespmem:s7+$0x1080] =	vst v2  }
0x164: {  	s8 =	sadd.s32 s8, s1;
	[tilespmem:s7+$0x1200] =	vst v3  }
0x165: {  	[tilespmem:s7+$0x1000] =	vst v1;
	s7 =	sor.u32 $0x380, s8  }
0x166: {  	v1 =	vld [tilespmem:s7+$0x1000]  }
0x167: {  	_ =	sdelay $0x3  }
0x168: {  	v0 =	vmul.f32 v1, v0;
	_ =	sdelay $0x1  }
0x169: {  	s1 =	simm.s32 $0x0;
	[tilespmem:s7+$0x1000] =	vst v0  }
0x16a: {  	[hbm4b:s18+s1] =	stream.linear.scatter [tilespmem:s22], [sflag:$0x4], $0x8000, $0x38;
	[tilespmem:$0x19000] =	vst v63  }
0x16b: {  	_ =	swait.ge [sflag:s26], $0x8000  }
0x16c: {  	[sflag:s26] =	ssyncset.done $0x0  }
0x16d: {  	s2 =	sand.u32 $0x70, s1;
	s4 =	sand.u32 $0x7C00, s1;
	[sflag:s26] =	ssyncadd.s32 $0xFFFF8000  }
0x16e: {  	s2 =	sor.u32 s2, s4;
	v0 =	vld [tilespmem:s1+$0x0]  }
0x16f: {  	v1 =	vld [tilespmem:s2+$0x9300]  }
0x170: {  	v2 =	vld [tilespmem:s2+$0x9100]  }
0x171: {  	v3 =	vld [tilespmem:s2+$0x9180]  }
0x172: {  	v4 =	vld [tilespmem:s2+$0x9280]  }
0x173: {  	v5 =	vld [tilespmem:s2+$0x9080]  }
0x174: {  	v6 =	vld [tilespmem:s2+$0x9200];
	v1 =	vmul.f32 v1, v0  }
0x175: {  	v7 =	vld [tilespmem:s2+$0x9000];
	v2 =	vmul.f32 v2, v0  }
0x176: {  	v3 =	vmul.f32 v3, v0;
	[tilespmem:s2+$0x9300] =	vst v1  }
0x177: {  	[tilespmem:s2+$0x9100] =	vst v2;
	v1 =	vmul.f32 v4, v0  }
0x178: {  	v2 =	vmul.f32 v5, v0;
	[tilespmem:s2+$0x9180] =	vst v3  }
0x179: {  	s9 =	sand.u32 $0x7, s1;
	v3 =	vmul.f32 v6, v0;
	[tilespmem:s2+$0x9280] =	vst v1  }
0x17a: {  	s4 =	sshll.u32 s9, $0x4;
	v1 =	vmul.f32 v7, v0;
	[tilespmem:s2+$0x9080] =	vst v2  }
0x17b: {  	s4 =	sadd.s32 $0x0, s4;
	[tilespmem:s2+$0x9200] =	vst v3  }
0x17c: {  	s7 =	sor.u32 $0x380, s4;
	[tilespmem:s2+$0x9000] =	vst v1  }
0x17d: {  	s5 =	simm.s32 $0x0;
	s4 =	simm.s32 $0x0;
	s2 =	simm.s32 $0x10;
	v1 =	vld [tilespmem:s7+$0x9000]  }
.LBB2_16:
0x17e: {  	s1 =	sadd.s32 $0x80, s1;
	s4 =	sadd.s32 $0x1, s4;
	s5 =	sadd.s32 $0x10, s5  }
0x17f: {  	p0 =	sne.s32 s2, $0xFF0;
	s8 =	smov.u32 s2;
	s2 =	sadd.s32 $0x10, s2  }
0x180: {  	_ =	sdelay $0x1  }
0x181: {  	v0 =	vmul.f32 v1, v0;
	_ =	sdelay $0x1  }
0x182: {  	[tilespmem:s7+$0x9000] =	vst v0  }
0x183: {  	s7 =	sand.u32 $0x70, s8;
	s8 =	sand.u32 $0x7C00, s1  }
0x184: {  	s7 =	sor.u32 s7, s8;
	v0 =	vld [tilespmem:s5+$0x0]  }
0x185: {  	v1 =	vld [tilespmem:s7+$0x9300]  }
0x186: {  	v2 =	vld [tilespmem:s7+$0x9100]  }
0x187: {  	v3 =	vld [tilespmem:s7+$0x9180]  }
0x188: {  	v4 =	vld [tilespmem:s7+$0x9280]  }
0x189: {  	v5 =	vld [tilespmem:s7+$0x9080]  }
0x18a: {  	v6 =	vld [tilespmem:s7+$0x9200];
	v1 =	vmul.f32 v1, v0  }
0x18b: {  	v7 =	vld [tilespmem:s7+$0x9000];
	v2 =	vmul.f32 v2, v0  }
0x18c: {  	v3 =	vmul.f32 v3, v0;
	[tilespmem:s7+$0x9300] =	vst v1  }
0x18d: {  	[tilespmem:s7+$0x9100] =	vst v2;
	v1 =	vmul.f32 v4, v0  }
0x18e: {  	v2 =	vmul.f32 v5, v0;
	[tilespmem:s7+$0x9180] =	vst v3  }
.Ltmp7:
0x18f: {  	s8 =	sand.u32 $0x7, s4;
	v3 =	vmul.f32 v6, v0;
	[tilespmem:s7+$0x9280] =	vst v1;
	(pc) =	sbr.rel @p0 .LBB2_16-.Ltmp7, $4  }
0x190: {  	s8 =	sshll.u32 s8, $0x4;
	v1 =	vmul.f32 v7, v0;
	[tilespmem:s7+$0x9080] =	vst v2  }
0x191: {  	s8 =	sadd.s32 s8, s1;
	[tilespmem:s7+$0x9200] =	vst v3  }
0x192: {  	[tilespmem:s7+$0x9000] =	vst v1;
	s7 =	sor.u32 $0x380, s8  }
0x193: {  	v1 =	vld [tilespmem:s7+$0x9000]  }
0x194: {  	_ =	sdelay $0x3  }
0x195: {  	v0 =	vmul.f32 v1, v0;
	_ =	sdelay $0x1  }
0x196: {  	[tilespmem:s7+$0x9000] =	vst v0  }
0x197: {  	[hbm4b:s19+s3] =	stream.linear.scatter [tilespmem:s23], [sflag:$0x5], $0x8000, $0x38;
	[tilespmem:$0x19000] =	vst v63  }
0x198: {  	_ =	swait.ge [sflag:s31], $0x8000  }
0x199: {  	[sflag:s31] =	ssyncset.done $0x0  }
0x19a: {  	s0 =	sadd.s32 $0x1, s0;
	[sflag:s31] =	ssyncadd.s32 $0xFFFF8000  }
0x19b: {  	p0 =	sne.s32 s0, s20;
	_ =	swait.ge [sflag:s28], $0x8000  }
.Ltmp8:
0x19c: {  	[sflag:s28] =	ssyncset.done $0x0;
	(pc) =	sbr.rel @p0 .LBB2_1-.Ltmp8, $4  }
0x19d: {  	[sflag:s28] =	ssyncadd.s32 $0xFFFF8000  }
0x19e: {  	_ =	swait.ge [sflag:s30], $0x8000  }
0x19f: {  	[sflag:s30] =	ssyncset.done $0x0  }
0x1a0: {  	[sflag:s30] =	ssyncadd.s32 $0xFFFF8000  }
0x1a1: {  	_ =	sfence.sel $0x180000  }
0x1a2: {  	[bflag:$0x0] =	sbarrier.arrive $0xFFFF  }
0x1a3: {  	_ =	strace $0x90000047  }
0x1a4: {  	s0 =	stileid.u32;
	[bflag:$0x2] =	sbarrier.arrive $0xFFFF  }
0x1a5: {  	p0 =	sne.s32 s0, $0x0;
	s0 =	rddreg [dreg:$0x3]  }
0x1a6: {  	s0 =	sadd.s32 @!p0 $0x100000, s0  }
0x1a7: {  	[sflag:s0] =	ssyncadd.tile.s32 @!p0 $0x1;
	_ =	shalt  }
.Lfunc_end2:
_tile_overlayer_lowered:
.L_overlay_start_2:
0x1a8: {  	(tag) =	ssettag $0x2  }
0x1a9: {  	s0 =	rddreg [dreg:$0x0];
	s2 =	stileid.u32  }
0x1aa: {  	s1 =	rddreg [dreg:$0x1];
	p0 =	sne.s32 s2, $0x0  }
0x1ab: {  	s3 =	rddreg [dreg:$0x2];
	[bflag:$0x3] =	sbarrier.arrive $0xFFFF;
	s2 =	simm.s32 @!p0 $0x1C07  }
0x1ac: {  	[timem:s3], [sflag:s2] =	dma.local @!p0 [hbm:s0], s1  }
0x1ad: {  	s0 =	simm.s32 @!p0 $0x7  }
0x1ae: {  	_ =	swait.ge @!p0 [sflag:s0], s1  }
0x1af: {  	s1 =	ssub.s32 @!p0 $0x0, s1;
	[sflag:s0] =	ssyncset.done @!p0 $0x0  }
0x1b0: {  	[sflag:s0] =	ssyncadd.s32 @!p0 s1  }
0x1b1: {  	[bflag:$0x3] =	sbarrier.arrive $0xFFFF  }
0x1b2: {  	_ =	shalt  }

</sc_bundles>
